<compile_context>
chip_gen: v7x
topology: tpu7x:2x2x1
jax: 0.10.2.dev20260603
libtpu: 0.0.44.dev20260713+nightly
codegen_flags: <defaults>
</compile_context>

<pallas_src>
import functools

import jax
import jax.numpy as jnp
import numpy as np
from jax.experimental import pallas as pl
from jax.experimental.pallas import tpu as pltpu
from jax.experimental.pallas import tpu_sc as plsc

B = 2
C_IN = 64
H = 96
W = 320
HEAD_CONV = 256
NUM_CLASS = 3
KDET = 50
C_ROI = C_IN + 2 + NUM_CLASS
HW = H * W


def _k2_body(hm_ref, o2d_ref, s2d_ref, o_ref, s_ref):
    x = hm_ref[0]
    ninf = jnp.float32(-jnp.inf)
    up = jnp.concatenate([x[:, 1:, :], jnp.full((3, 1, W), ninf)], axis=1)
    dn = jnp.concatenate([jnp.full((3, 1, W), ninf), x[:, :-1, :]], axis=1)
    m1 = jnp.maximum(jnp.maximum(x, up), dn)
    lf = jnp.concatenate([m1[:, :, 1:], jnp.full((3, H, 1), ninf)], axis=2)
    rt = jnp.concatenate([jnp.full((3, H, 1), ninf), m1[:, :, :-1]], axis=2)
    hmax = jnp.maximum(jnp.maximum(m1, lf), rt)
    s_ref[...] = x * (hmax == x).astype(x.dtype)

    ci = jax.lax.broadcasted_iota(jnp.int32, (3, H, W), 0)
    yi = jax.lax.broadcasted_iota(jnp.int32, (3, H, W), 1)
    xi = jax.lax.broadcasted_iota(jnp.int32, (3, H, W), 2)
    flat = ci * HW + yi * W + xi
    yx = yi[0] * W + xi[0]
    lane = jax.lax.broadcasted_iota(jnp.int32, (8, 128), 1)
    row = jax.lax.broadcasted_iota(jnp.int32, (8, 128), 0)
    big = jnp.int32(2**31 - 1)

    def body(i, acc):
        cur = s_ref[...]
        v = jnp.max(cur)
        j = jnp.min(jnp.where(cur == v, flat, big))
        s_ref[...] = jnp.where(flat == j, ninf, cur)
        pos = j % HW
        m2 = (yx == pos)
        off_x = jnp.sum(jnp.where(m2, o2d_ref[0, 0], 0.0))
        off_y = jnp.sum(jnp.where(m2, o2d_ref[0, 1], 0.0))
        sw = jnp.sum(jnp.where(m2, s2d_ref[0, 0], 0.0))
        sh = jnp.sum(jnp.where(m2, s2d_ref[0, 1], 0.0))
        cx = (pos % W).astype(jnp.float32) + off_x
        cy = (pos // W).astype(jnp.float32) + off_y
        vals = (jnp.where(row == 0, cx - sw / 2.0, 0.0)
                + jnp.where(row == 1, cy - sh / 2.0, 0.0)
                + jnp.where(row == 2, cx + sw / 2.0, 0.0)
                + jnp.where(row == 3, cy + sh / 2.0, 0.0)
                + jnp.where(row == 4, (j // HW).astype(jnp.float32), 0.0))
        return jnp.where(lane == i, vals, acc)

    o_ref[0] = jax.lax.fori_loop(0, KDET, body, jnp.zeros((8, 128), jnp.float32))


def _select_pallas(heatmap, offset_2d, size_2d):
    out = pl.pallas_call(
        _k2_body,
        grid=(B,),
        in_specs=[
            pl.BlockSpec((1, 3, H, W), lambda b: (b, 0, 0, 0)),
            pl.BlockSpec((1, 2, H, W), lambda b: (b, 0, 0, 0)),
            pl.BlockSpec((1, 2, H, W), lambda b: (b, 0, 0, 0)),
        ],
        out_specs=pl.BlockSpec((1, 8, 128), lambda b: (b, 0, 0)),
        out_shape=jax.ShapeDtypeStruct((B, 8, 128), jnp.float32),
        scratch_shapes=[pltpu.VMEM((3, H, W), jnp.float32)],
        compiler_params=pltpu.CompilerParams(
            dimension_semantics=("parallel",)),
    )(heatmap, offset_2d, size_2d)
    dets = out[:, :5, :KDET]
    bids = jnp.broadcast_to(jnp.arange(B, dtype=jnp.float32)[:, None], (B, KDET))
    box = jnp.concatenate([bids[:, None, :], dets[:, :4]], axis=1)
    box = box.transpose(0, 2, 1).reshape(B * KDET, 5)
    cls_ids = dets[:, 4].reshape(B * KDET).astype(jnp.int32)
    return box, cls_ids


_K1_ROWS = 8
_WP = 384
_XF_COLS = (H + 2) * _WP + 128


def _k1_body(x_ref, w1_ref, b1_ref, w2_ref, b2_ref, o_ref):
    t = pl.program_id(1)
    wide = _K1_ROWS * _WP
    slabs = []
    for dy in range(3):
        start = pl.multiple_of((t * _K1_ROWS + dy) * _WP, 128)
        slab = x_ref[0, :, pl.ds(start, wide + 128)]
        for dx in range(3):
            slabs.append(slab[:, dx:dx + wide])
    rhs = jnp.concatenate(slabs, axis=0)
    a = jnp.dot(w1_ref[...], rhs, preferred_element_type=jnp.float32)
    a = jnp.maximum(a + b1_ref[...], 0.0)
    z = jnp.dot(w2_ref[...], a, preferred_element_type=jnp.float32) + b2_ref[...]
    for r in range(_K1_ROWS):
        o_ref[0, :, r * W:(r + 1) * W] = z[:, r * _WP:r * _WP + W]


def _dense_heads_pallas(XF, W1T, b1, W2T, b2):
    return pl.pallas_call(
        _k1_body,
        grid=(B, H // _K1_ROWS),
        in_specs=[
            pl.BlockSpec((1, 64, _XF_COLS), lambda b, t: (b, 0, 0)),
            pl.BlockSpec((768, 576), lambda b, t: (0, 0)),
            pl.BlockSpec((768, 1), lambda b, t: (0, 0)),
            pl.BlockSpec((8, 768), lambda b, t: (0, 0)),
            pl.BlockSpec((8, 1), lambda b, t: (0, 0)),
        ],
        out_specs=pl.BlockSpec((1, 8, _K1_ROWS * W), lambda b, t: (b, 0, t)),
        out_shape=jax.ShapeDtypeStruct((B, 8, HW), jnp.float32),
        compiler_params=pltpu.CompilerParams(
            dimension_semantics=("parallel", "parallel")),
    )(XF, W1T, b1, W2T, b2)


def _dense_heads(features, p):
    xp = jnp.pad(features, ((0, 0), (0, 0), (1, 1), (1, 1), ))
    xp = jnp.pad(xp, ((0, 0), (0, 0), (0, 0), (0, _WP - W - 2)))
    XF = jnp.pad(xp.reshape(B, 64, (H + 2) * _WP), ((0, 0), (0, 0), (0, 128)))
    w1 = jnp.concatenate([p['hm_w1'], p['o2d_w1'], p['s2d_w1']], axis=0)
    W1T = w1.transpose(0, 2, 3, 1).reshape(768, 576)
    b1 = jnp.concatenate([p['hm_b1'], p['o2d_b1'], p['s2d_b1']])[:, None]
    W2T = jnp.zeros((8, 768), jnp.float32)
    W2T = W2T.at[0:3, 0:256].set(p['hm_w2'][:, :, 0, 0])
    W2T = W2T.at[3:5, 256:512].set(p['o2d_w2'][:, :, 0, 0])
    W2T = W2T.at[5:7, 512:768].set(p['s2d_w2'][:, :, 0, 0])
    b2 = jnp.concatenate([p['hm_b2'], p['o2d_b2'], p['s2d_b2'],
                          jnp.zeros((1,), jnp.float32)])[:, None]
    dense = _dense_heads_pallas(XF, W1T, b1, W2T, b2)
    heatmap = dense[:, 0:3, :].reshape(B, 3, H, W)
    offset_2d = dense[:, 3:5, :].reshape(B, 2, H, W)
    size_2d = dense[:, 5:7, :].reshape(B, 2, H, W)
    return heatmap, offset_2d, size_2d


_K4_TB = 10
_K4_GRID = (B * KDET) // _K4_TB
_K4_WIDE = _K4_TB * 128
_XR_COLS = B * KDET * 128 + 128


def _k4_body(x_ref, w1_ref, b1_ref, m_ref, w2_ref, b2_ref, o_ref, acc_ref):
    t = pl.program_id(0)
    start = pl.multiple_of(t * _K4_WIDE, 128)
    loaded = x_ref[:, pl.ds(start, _K4_WIDE + 128)]
    slabs = []
    for dy in range(3):
        for dx in range(3):
            off = dy * 9 + dx
            slabs.append(loaded[:, off:off + _K4_WIDE])
    rhs = jnp.concatenate(slabs, axis=0)
    a = jnp.dot(w1_ref[...], rhs, preferred_element_type=jnp.float32)
    a = jnp.maximum(a + b1_ref[...], 0.0)
    part = jnp.dot(a, m_ref[0], preferred_element_type=jnp.float32)

    @pl.when(t == 0)
    def _():
        acc_ref[...] = part

    @pl.when(t > 0)
    def _():
        acc_ref[...] = acc_ref[...] + part

    @pl.when(t == _K4_GRID - 1)
    def _():
        o_ref[...] = (jnp.dot(w2_ref[...], acc_ref[...],
                              preferred_element_type=jnp.float32) + b2_ref[...])


def _roi_heads_pallas(XR, W1f, b1f, M, W2f, b2f):
    return pl.pallas_call(
        _k4_body,
        grid=(_K4_GRID,),
        in_specs=[
            pl.BlockSpec((69, _XR_COLS), lambda t: (0, 0)),
            pl.BlockSpec((1024, 621), lambda t: (0, 0)),
            pl.BlockSpec((1024, 1), lambda t: (0, 0)),
            pl.BlockSpec((1, _K4_WIDE, 128), lambda t: (t, 0, 0)),
            pl.BlockSpec((32, 1024), lambda t: (0, 0)),
            pl.BlockSpec((32, 1), lambda t: (0, 0)),
        ],
        out_specs=pl.BlockSpec((32, 128), lambda t: (0, 0)),
        out_shape=jax.ShapeDtypeStruct((32, 128), jnp.float32),
        scratch_shapes=[pltpu.VMEM((1024, 128), jnp.float32)],
    )(XR, W1f, b1f, M, W2f, b2f)


_K4_HEADS = (('dep', 0, 2), ('o3d', 2, 4), ('s3d', 4, 8), ('hd', 8, 32))


def _k4_mean_mask():
    m = np.zeros((_K4_GRID, _K4_WIDE, 128), np.float32)
    for t in range(_K4_GRID):
        for nloc in range(_K4_TB):
            n = t * _K4_TB + nloc
            for r in range(7):
                for c in range(7):
                    m[t, nloc * 128 + r * 9 + c, n] = 1.0 / 49.0
    return jnp.asarray(m)


def _roi_heads(roi_in, p):
    N = B * KDET
    xp = jnp.pad(roi_in, ((0, 0), (0, 0), (1, 1), (1, 1)))
    xp = jnp.pad(xp.reshape(N, C_ROI, 81), ((0, 0), (0, 0), (0, 47)))
    XR = jnp.pad(xp.transpose(1, 0, 2).reshape(C_ROI, N * 128),
                 ((0, 0), (0, 128)))
    w1s, b1s = [], []
    for name, lo, hi in _K4_HEADS:
        s = p[name + '_bn_g'] / jnp.sqrt(p[name + '_bn_v'] + 1e-5)
        w1s.append((p[name + '_w1'] * s[:, None, None, None])
                   .transpose(0, 2, 3, 1).reshape(HEAD_CONV, 621))
        b1s.append((p[name + '_b1'] - p[name + '_bn_m']) * s + p[name + '_bn_b'])
    W1f = jnp.concatenate(w1s, axis=0)
    b1f = jnp.concatenate(b1s)[:, None]
    W2f = jnp.zeros((32, 1024), jnp.float32)
    b2s = []
    for i, (name, lo, hi) in enumerate(_K4_HEADS):
        W2f = W2f.at[lo:hi, i * HEAD_CONV:(i + 1) * HEAD_CONV].set(
            p[name + '_w2'][:, :, 0, 0])
        b2s.append(p[name + '_b2'])
    b2f = jnp.concatenate(b2s)[:, None]
    z = _roi_heads_pallas(XR, W1f, b1f, _k4_mean_mask(), W2f, b2f)[:, :N]
    return z[0:2].T, z[2:4].T, z[4:8].T, z[8:32].T


_SC_NC = 2
_SC_NS = 16
_SC_NW = _SC_NC * _SC_NS
_NPTS = B * KDET * 49
_PPAD = 4928
_BP = 4 * _PPAD
_BPW = _BP // _SC_NW
_DP = 128


def _k3_gather(table, idx):
    mesh = plsc.VectorSubcoreMesh(core_axis_name="c", subcore_axis_name="s")

    @functools.partial(
        pl.kernel, mesh=mesh,
        out_type=jax.ShapeDtypeStruct((_BP, _DP), jnp.float32),
        scratch_types=[
            pltpu.VMEM((_BPW,), jnp.int32),
            pltpu.VMEM((_BPW, _DP), jnp.float32),
            pltpu.SemaphoreType.DMA,
        ],
    )
    def k(table_hbm, idx_hbm, out_hbm, idx_v, rows_v, sem):
        wid = jax.lax.axis_index("s") * _SC_NC + jax.lax.axis_index("c")
        base = wid * _BPW
        pltpu.sync_copy(idx_hbm.at[pl.ds(base, _BPW)], idx_v)
        pltpu.async_copy(table_hbm.at[idx_v], rows_v, sem).wait()
        pltpu.sync_copy(rows_v, out_hbm.at[pl.ds(base, _BPW)])

    return k(table, idx)


def _k3_blend_body(r_ref, w_ref, o_ref):
    o_ref[...] = jnp.sum(r_ref[...] * w_ref[...], axis=0)


def _k3_blend(rows, wts):
    return pl.pallas_call(
        _k3_blend_body,
        out_shape=jax.ShapeDtypeStruct((_PPAD, _DP), jnp.float32),
    )(rows.reshape(4, _PPAD, _DP), wts)


def _roi_align_sc(features, box):
    table = jnp.pad(features.transpose(0, 2, 3, 1),
                    ((0, 0), (0, 0), (0, 0), (0, _DP - C_IN))).reshape(
                        B * HW, _DP)
    bidx = box[:, 0].astype(jnp.int32)
    g = (jnp.arange(7, dtype=jnp.float32) + 0.5) / 7.0
    xs = box[:, 1:2] + g[None, :] * (box[:, 3:4] - box[:, 1:2]) - 0.5
    ys = box[:, 2:3] + g[None, :] * (box[:, 4:5] - box[:, 2:3]) - 0.5
    x0 = jnp.floor(xs)
    y0 = jnp.floor(ys)
    wx = xs - x0
    wy = ys - y0
    x0i = jnp.clip(x0.astype(jnp.int32), 0, W - 1)
    x1i = jnp.clip(x0.astype(jnp.int32) + 1, 0, W - 1)
    y0i = jnp.clip(y0.astype(jnp.int32), 0, H - 1)
    y1i = jnp.clip(y0.astype(jnp.int32) + 1, 0, H - 1)
    base = (bidx * HW)[:, None, None]
    ry0 = (y0i * W)[:, :, None]
    ry1 = (y1i * W)[:, :, None]
    cx0 = x0i[:, None, :]
    cx1 = x1i[:, None, :]
    i00 = (base + ry0 + cx0).reshape(_NPTS)
    i01 = (base + ry0 + cx1).reshape(_NPTS)
    i10 = (base + ry1 + cx0).reshape(_NPTS)
    i11 = (base + ry1 + cx1).reshape(_NPTS)
    wyk = wy[:, :, None]
    wxk = wx[:, None, :]
    ones7 = jnp.ones((B * KDET, 7, 7), jnp.float32)
    w00 = ((1 - wxk) * (1 - wyk) * ones7).reshape(_NPTS)
    w01 = (wxk * (1 - wyk) * ones7).reshape(_NPTS)
    w10 = ((1 - wxk) * wyk * ones7).reshape(_NPTS)
    w11 = (wxk * wyk * ones7).reshape(_NPTS)
    pad = _PPAD - _NPTS
    idx = jnp.concatenate([jnp.pad(i, (0, pad)) for i in (i00, i01, i10, i11)])
    wts = jnp.stack([jnp.pad(w, (0, pad)) for w in (w00, w01, w10, w11)])
    rows = _k3_gather(table, idx)
    blended = _k3_blend(rows, wts[:, :, None])[:_NPTS, :C_IN]
    return blended.reshape(B * KDET, 49, C_IN).transpose(0, 2, 1).reshape(
        B * KDET, C_IN, 7, 7)


def _project(calib, pts):
    cu = calib[:, 0, 2]
    cv = calib[:, 1, 2]
    fu = calib[:, 0, 0]
    fv = calib[:, 1, 1]
    bx = calib[:, 0, 3] / (-fu)
    by = calib[:, 1, 3] / (-fv)
    x = (pts[:, 0] - cu) * pts[:, 2] / fu + bx
    y = (pts[:, 1] - cv) * pts[:, 2] / fv + by
    return jnp.stack([x, y, pts[:, 2]], -1)


def kernel(features, calib, coord_range, params):
    p = params
    heatmap, offset_2d, size_2d = _dense_heads(features, p)
    box, cls_ids = _select_pallas(heatmap, offset_2d, size_2d)
    roi_feat = _roi_align_sc(features, box)
    bidx = box[:, 0].astype(jnp.int32)
    cr = coord_range[bidx]
    sx = cr[:, 1, 0] - cr[:, 0, 0]
    ox = cr[:, 0, 0]
    sy = cr[:, 1, 1] - cr[:, 0, 1]
    oy = cr[:, 0, 1]
    box_s = jnp.stack([box[:, 0], box[:, 1] / W * sx + ox, box[:, 2] / H * sy + oy,
                       box[:, 3] / W * sx + ox, box[:, 4] / H * sy + oy], -1)
    roi_calib = calib[bidx]
    N = B * KDET
    ones = jnp.ones((N, 1), dtype=jnp.float32)
    p1 = _project(roi_calib, jnp.concatenate([box_s[:, 1:3], ones], -1))[:, :2]
    p2 = _project(roi_calib, jnp.concatenate([box_s[:, 3:5], ones], -1))[:, :2]
    cic = jnp.concatenate([box_s[:, 0:1], p1, p2], -1)
    t = jnp.arange(7, dtype=jnp.float32) / 6.0
    cx = cic[:, 1:2] + t[None, :] * (cic[:, 3:4] - cic[:, 1:2])
    cy = cic[:, 2:3] + t[None, :] * (cic[:, 4:5] - cic[:, 2:3])
    coord_maps = jnp.concatenate([
        jnp.broadcast_to(cx[:, None, None, :], (N, 1, 7, 7)),
        jnp.broadcast_to(cy[:, None, :, None], (N, 1, 7, 7))], 1)
    cls_hot = jax.nn.one_hot(cls_ids, NUM_CLASS, dtype=jnp.float32)
    roi_in = jnp.concatenate([roi_feat, coord_maps,
                              jnp.broadcast_to(cls_hot[:, :, None, None], (N, NUM_CLASS, 7, 7))], 1)
    box2d_h = jnp.clip(box_s[:, 4] - box_s[:, 2], 1.0, None)
    dnet, offset_3d, s3d, heading = _roi_heads(roi_in, p)
    h3d_log_std = s3d[:, 3:4]
    size_3d = p['mean_size'][cls_ids] + s3d[:, :3]
    depth_geo = size_3d[:, 0] / box2d_h * roi_calib[:, 0, 0]
    dgls = (h3d_log_std[:, 0] + 2.0 * (jnp.log(roi_calib[:, 0, 0]) - jnp.log(box2d_h)))[:, None]
    dnls = jax.nn.logsumexp(jnp.concatenate([dnet[:, 1:2], dgls], -1), axis=-1, keepdims=True)
    depth = jnp.concatenate([1.0 / (jax.nn.sigmoid(dnet[:, 0:1]) + 1e-6) - 1.0 + depth_geo[:, None], dnls], -1)
    return heatmap, offset_2d, size_2d, heading, depth, offset_3d, size_3d

# --- scband reference (transcript-rebuilt; emitter-appended) ---
"""Pipeline reference for scband-guppredictor-14113262535327 (READ-ONLY COPY).

The authoritative reference and input builder live on the scoring server;
editing this copy changes nothing except your own understanding.
"""

import jax, jax.numpy as jnp
import numpy as np

B = 2
C_IN = 64
H = 96
W = 320
HEAD_CONV = 256
NUM_CLASS = 3
KDET = 50
C_ROI = C_IN + 2 + NUM_CLASS


def _conv(x, w, b, pad):
    y = jax.lax.conv_general_dilated(x, w, (1, 1), pad, dimension_numbers=('NCHW', 'OIHW', 'NCHW'))
    return y + b[None, :, None, None]


def _dense_head(x, p, name):
    h = jax.nn.relu(_conv(x, p[name + '_w1'], p[name + '_b1'], 'SAME'))
    return _conv(h, p[name + '_w2'], p[name + '_b2'], 'VALID')


def _roi_head(x, p, name):
    h = _conv(x, p[name + '_w1'], p[name + '_b1'], 'SAME')
    h = (h - p[name + '_bn_m'][None, :, None, None]) / jnp.sqrt(p[name + '_bn_v'][None, :, None, None] + 1e-5)
    h = h * p[name + '_bn_g'][None, :, None, None] + p[name + '_bn_b'][None, :, None, None]
    h = jax.nn.relu(h)
    h = jnp.mean(h, axis=(2, 3), keepdims=True)
    return _conv(h, p[name + '_w2'], p[name + '_b2'], 'VALID')


def _nms_hm(h):
    hmax = jax.lax.reduce_window(h, -jnp.inf, jax.lax.max, (1, 1, 3, 3), (1, 1, 1, 1), 'SAME')
    return h * (hmax == h).astype(h.dtype)


def _select_topk(heat, K):
    b, c, hh, ww = heat.shape
    flat = heat.reshape(b, c, hh * ww)
    s_all, i_all = jax.lax.top_k(flat, K)
    scores, inds = jax.lax.top_k(s_all.reshape(b, c * K), K)
    clses = inds // K
    inds_all = jnp.take_along_axis(i_all.reshape(b, c * K), inds, axis=1)
    return scores, inds_all, clses


def _bilinear(img, xs, ys):
    x0 = jnp.floor(xs)
    y0 = jnp.floor(ys)
    wx = xs - x0
    wy = ys - y0
    x0i = jnp.clip(x0.astype(jnp.int32), 0, W - 1)
    x1i = jnp.clip(x0.astype(jnp.int32) + 1, 0, W - 1)
    y0i = jnp.clip(y0.astype(jnp.int32), 0, H - 1)
    y1i = jnp.clip(y0.astype(jnp.int32) + 1, 0, H - 1)
    Ia = img[:, y0i, x0i]
    Ib = img[:, y0i, x1i]
    Ic = img[:, y1i, x0i]
    Id = img[:, y1i, x1i]
    return Ia * (1 - wx) * (1 - wy) + Ib * wx * (1 - wy) + Ic * (1 - wx) * wy + Id * wx * wy


def _roi_align(feat, boxes):
    def one(box):
        bidx = box[0].astype(jnp.int32)
        g = (jnp.arange(7, dtype=jnp.float32) + 0.5) / 7.0
        xs = box[1] + g * (box[3] - box[1])
        ys = box[2] + g * (box[4] - box[2])
        xg, yg = jnp.meshgrid(xs, ys)
        return _bilinear(feat[bidx], xg - 0.5, yg - 0.5)
    return jax.vmap(one)(boxes)


def _project(calib, pts):
    cu = calib[:, 0, 2]
    cv = calib[:, 1, 2]
    fu = calib[:, 0, 0]
    fv = calib[:, 1, 1]
    bx = calib[:, 0, 3] / (-fu)
    by = calib[:, 1, 3] / (-fv)
    x = (pts[:, 0] - cu) * pts[:, 2] / fu + bx
    y = (pts[:, 1] - cv) * pts[:, 2] / fv + by
    return jnp.stack([x, y, pts[:, 2]], -1)


def _forward(features, calib, coord_range, p):
    heatmap = _dense_head(features, p, 'hm')
    offset_2d = _dense_head(features, p, 'o2d')
    size_2d = _dense_head(features, p, 's2d')
    hm_nms = _nms_hm(heatmap)
    scores, inds, clses = _select_topk(hm_nms, KDET)
    xg, yg = jnp.meshgrid(jnp.arange(W, dtype=jnp.float32), jnp.arange(H, dtype=jnp.float32))
    coord_map = jnp.broadcast_to(jnp.stack([xg, yg], 0)[None], (B, 2, H, W))
    center = coord_map + offset_2d
    bmaps = jnp.concatenate([center - size_2d / 2.0, center + size_2d / 2.0], 1)
    bids = jnp.broadcast_to(jnp.arange(B, dtype=jnp.float32)[:, None, None, None], (B, 1, H, W))
    bmaps = jnp.concatenate([bids, bmaps], 1)
    bm = bmaps.reshape(B, 5, H * W).transpose(0, 2, 1)
    box = jnp.take_along_axis(bm, inds[:, :, None], axis=1).reshape(B * KDET, 5)
    cls_ids = clses.reshape(B * KDET)
    roi_feat = _roi_align(features, box)
    bidx = box[:, 0].astype(jnp.int32)
    cr = coord_range[bidx]
    sx = cr[:, 1, 0] - cr[:, 0, 0]
    ox = cr[:, 0, 0]
    sy = cr[:, 1, 1] - cr[:, 0, 1]
    oy = cr[:, 0, 1]
    box_s = jnp.stack([box[:, 0], box[:, 1] / W * sx + ox, box[:, 2] / H * sy + oy, box[:, 3] / W * sx + ox, box[:, 4] / H * sy + oy], -1)
    roi_calib = calib[bidx]
    N = B * KDET
    ones = jnp.ones((N, 1), dtype=jnp.float32)
    p1 = _project(roi_calib, jnp.concatenate([box_s[:, 1:3], ones], -1))[:, :2]
    p2 = _project(roi_calib, jnp.concatenate([box_s[:, 3:5], ones], -1))[:, :2]
    cic = jnp.concatenate([box_s[:, 0:1], p1, p2], -1)
    t = jnp.arange(7, dtype=jnp.float32) / 6.0
    cx = cic[:, 1:2] + t[None, :] * (cic[:, 3:4] - cic[:, 1:2])
    cy = cic[:, 2:3] + t[None, :] * (cic[:, 4:5] - cic[:, 2:3])
    coord_maps = jnp.concatenate([jnp.broadcast_to(cx[:, None, None, :], (N, 1, 7, 7)), jnp.broadcast_to(cy[:, None, :, None], (N, 1, 7, 7))], 1)
    cls_hot = jax.nn.one_hot(cls_ids, NUM_CLASS, dtype=jnp.float32)
    roi_in = jnp.concatenate([roi_feat, coord_maps, jnp.broadcast_to(cls_hot[:, :, None, None], (N, NUM_CLASS, 7, 7))], 1)
    box2d_h = jnp.clip(box_s[:, 4] - box_s[:, 2], 1.0, None)
    s3d = _roi_head(roi_in, p, 's3d')[:, :, 0, 0]
    h3d_log_std = s3d[:, 3:4]
    size_3d = p['mean_size'][cls_ids] + s3d[:, :3]
    depth_geo = size_3d[:, 0] / box2d_h * roi_calib[:, 0, 0]
    dnet = _roi_head(roi_in, p, 'dep')[:, :, 0, 0]
    dgls = (h3d_log_std[:, 0] + 2.0 * (jnp.log(roi_calib[:, 0, 0]) - jnp.log(box2d_h)))[:, None]
    dnls = jax.nn.logsumexp(jnp.concatenate([dnet[:, 1:2], dgls], -1), axis=-1, keepdims=True)
    depth = jnp.concatenate([1.0 / (jax.nn.sigmoid(dnet[:, 0:1]) + 1e-6) - 1.0 + depth_geo[:, None], dnls], -1)
    heading = _roi_head(roi_in, p, 'hd')[:, :, 0, 0]
    offset_3d = _roi_head(roi_in, p, 'o3d')[:, :, 0, 0]
    return heatmap, offset_2d, size_2d, heading, depth, offset_3d, size_3d


def setup_inputs(seed: int = 0):
    key = jax.random.key(seed)
    ks = jax.random.split(key, 20)
    features = jax.random.normal(ks[0], (B, C_IN, H, W), dtype=jnp.float32)
    calib = jnp.tile(jnp.array([[707.0493, 0.0, 604.0814, 45.7541], [0.0, 707.0493, 180.5066, -0.3454], [0.0, 0.0, 1.0, 0.0049]], dtype=jnp.float32)[None], (B, 1, 1))
    coord_range = jnp.tile(jnp.array([[[0.0, 0.0], [1280.0, 384.0]]], dtype=jnp.float32), (B, 1, 1))
    p = {}
    def conv_w(k, o, i, s):
        return jax.random.normal(k, (o, i, s, s), dtype=jnp.float32) * 0.01
    idx = 1
    for name, cin, cout in [('hm', C_IN, 3), ('o2d', C_IN, 2), ('s2d', C_IN, 2)]:
        p[name + '_w1'] = conv_w(ks[idx], HEAD_CONV, cin, 3)
        idx += 1
        p[name + '_b1'] = jnp.zeros((HEAD_CONV,), jnp.float32)
        p[name + '_w2'] = conv_w(ks[idx], cout, HEAD_CONV, 1)
        idx += 1
        p[name + '_b2'] = jnp.zeros((cout,), jnp.float32)
    p['hm_b2'] = jnp.full((3,), float(-np.log(1.0 / 0.1 - 1.0)), jnp.float32)
    for name, cout in [('dep', 2), ('o3d', 2), ('s3d', 4), ('hd', 24)]:
        p[name + '_w1'] = conv_w(ks[idx], HEAD_CONV, C_ROI, 3)
        idx += 1
        p[name + '_b1'] = jnp.zeros((HEAD_CONV,), jnp.float32)
        p[name + '_bn_g'] = jnp.ones((HEAD_CONV,), jnp.float32)
        p[name + '_bn_b'] = jnp.zeros((HEAD_CONV,), jnp.float32)
        p[name + '_bn_m'] = jnp.zeros((HEAD_CONV,), jnp.float32)
        p[name + '_bn_v'] = jnp.ones((HEAD_CONV,), jnp.float32)
        p[name + '_w2'] = conv_w(ks[idx], cout, HEAD_CONV, 1)
        idx += 1
        p[name + '_b2'] = jnp.zeros((cout,), jnp.float32)
    p['mean_size'] = jnp.array([[1.52563191, 1.62856739, 3.52588311], [1.76255119, 0.66068622, 0.84422524], [1.73698127, 0.59706367, 1.76282397]], jnp.float32)
    return {'features': features, 'calib': calib, 'coord_range': coord_range, 'params': p}


def reference(features, calib, coord_range, params):
    return _forward(features, calib, coord_range, params)

if __name__ == "__main__":
    import jax
    _d = setup_inputs()
    print(jax.jit(kernel)(*tuple(_d.values())))

</pallas_src>

<mosaic_0001>
#map = affine_map<(d0, d1) -> (0, 0)>
#map1 = affine_map<(d0, d1) -> (0)>
module attributes {stable_mosaic.version = 14 : i64} {
  func.func @k(%arg0: i32, %arg1: i32, %arg2: memref<61440x128xf32, #tpu.memory_space<hbm>>, %arg3: memref<19712xi32, #tpu.memory_space<hbm>>, %arg4: memref<19712x128xf32, #tpu.memory_space<hbm>>, %arg5: memref<616xi32, #tpu.memory_space<vmem>>, %arg6: memref<616x128xf32, #tpu.memory_space<vmem>>, %arg7: memref<!tpu.dma_semaphore, #tpu.memory_space<semaphore_mem>>) attributes {dimension_semantics = [#tpu.dimension_semantics<core_parallel>, #tpu.dimension_semantics<subcore_parallel>], iteration_bounds = array<i64: 2, 16>, scalar_prefetch = 0 : i64, scratch_operands = 3 : i64, tpu.core_type = #tpu.core_type<sc_vector_subcore>, window_params = [{transform_indices = #map}, {transform_indices = #map1}, {transform_indices = #map}]} {
    %mul3A = arith.constant 2 : i32
    %mul3A_0 = arith.muli %arg1, %mul3A : i32
    %add3A = arith.addi %mul3A_0, %arg0 : i32
    %mul3A_1 = arith.constant 616 : i32
    %mul3A_2 = arith.muli %add3A, %mul3A_1 : i32
    "tpu.region"() ({
      %run_scoped3A = tpu.sem_alloc : memref<!tpu.dma_semaphore, #tpu.memory_space<semaphore_mem>>
      %dma_start3A_7 = tpu.memref_slice %arg3[%mul3A_2] : memref<19712xi32, #tpu.memory_space<hbm>> -> memref<616xi32, #tpu.memory_space<hbm>>
      %dma_start3A_8 = tpu.memref_slice %arg3[%mul3A_2] : memref<19712xi32, #tpu.memory_space<hbm>> -> memref<616xi32, #tpu.memory_space<hbm>>
      tpu.enqueue_dma source(%dma_start3A_8 : memref<616xi32, #tpu.memory_space<hbm>>) target(%arg5 : memref<616xi32, #tpu.memory_space<vmem>>) target_semaphore(%run_scoped3A : memref<!tpu.dma_semaphore, #tpu.memory_space<semaphore_mem>>)
      %dma_wait3A_9 = tpu.memref_slice %arg3[%mul3A_2] : memref<19712xi32, #tpu.memory_space<hbm>> -> memref<616xi32, #tpu.memory_space<hbm>>
      %dma_wait3A_10 = tpu.memref_slice %arg3[%mul3A_2] : memref<19712xi32, #tpu.memory_space<hbm>> -> memref<616xi32, #tpu.memory_space<hbm>>
      tpu.wait_dma2 semaphore(%run_scoped3A : memref<!tpu.dma_semaphore, #tpu.memory_space<semaphore_mem>>) src(%dma_wait3A_10 : memref<616xi32, #tpu.memory_space<hbm>>) dst(%arg5 : memref<616xi32, #tpu.memory_space<vmem>>)
      tpu.yield
    }) : () -> ()
    %dma_start3A = arith.constant 0 : i32
    %dma_start3A_3 = arith.constant 0 : i32
    %dma_start3A_4 = tpu.memref_slice %arg2[%dma_start3A, %dma_start3A_3] : memref<61440x128xf32, #tpu.memory_space<hbm>> -> memref<61440x128xf32, #tpu.memory_space<hbm>>
    tpu.enqueue_indirect_dma source(%dma_start3A_4 : memref<61440x128xf32, #tpu.memory_space<hbm>>) target(%arg6 : memref<616x128xf32, #tpu.memory_space<vmem>>) offsets(%arg5 : memref<616xi32, #tpu.memory_space<vmem>>) semaphore(%arg7 : memref<!tpu.dma_semaphore, #tpu.memory_space<semaphore_mem>>)
    %dma_wait3A = arith.constant 0 : i32
    %dma_wait3A_5 = arith.constant 0 : i32
    %dma_wait3A_6 = tpu.memref_slice %arg2[%dma_wait3A, %dma_wait3A_5] : memref<61440x128xf32, #tpu.memory_space<hbm>> -> memref<61440x128xf32, #tpu.memory_space<hbm>>
    tpu.wait_indirect_dma semaphore(%arg7 : memref<!tpu.dma_semaphore, #tpu.memory_space<semaphore_mem>>) src(%dma_wait3A_6 : memref<61440x128xf32, #tpu.memory_space<hbm>>) dst(%arg6 : memref<616x128xf32, #tpu.memory_space<vmem>>)
    "tpu.region"() ({
      %run_scoped3A = tpu.sem_alloc : memref<!tpu.dma_semaphore, #tpu.memory_space<semaphore_mem>>
      %dma_start3A_7 = arith.constant 0 : i32
      %dma_start3A_8 = tpu.memref_slice %arg4[%mul3A_2, %dma_start3A_7] : memref<19712x128xf32, #tpu.memory_space<hbm>> -> memref<616x128xf32, #tpu.memory_space<hbm>>
      %dma_start3A_9 = arith.constant 0 : i32
      %dma_start3A_10 = tpu.memref_slice %arg4[%mul3A_2, %dma_start3A_9] : memref<19712x128xf32, #tpu.memory_space<hbm>> -> memref<616x128xf32, #tpu.memory_space<hbm>>
      tpu.enqueue_dma source(%arg6 : memref<616x128xf32, #tpu.memory_space<vmem>>) target(%dma_start3A_10 : memref<616x128xf32, #tpu.memory_space<hbm>>) target_semaphore(%run_scoped3A : memref<!tpu.dma_semaphore, #tpu.memory_space<semaphore_mem>>)
      %dma_wait3A_11 = arith.constant 0 : i32
      %dma_wait3A_12 = tpu.memref_slice %arg4[%mul3A_2, %dma_wait3A_11] : memref<19712x128xf32, #tpu.memory_space<hbm>> -> memref<616x128xf32, #tpu.memory_space<hbm>>
      %dma_wait3A_13 = arith.constant 0 : i32
      %dma_wait3A_14 = tpu.memref_slice %arg4[%mul3A_2, %dma_wait3A_13] : memref<19712x128xf32, #tpu.memory_space<hbm>> -> memref<616x128xf32, #tpu.memory_space<hbm>>
      tpu.wait_dma2 semaphore(%run_scoped3A : memref<!tpu.dma_semaphore, #tpu.memory_space<semaphore_mem>>) src(%arg6 : memref<616x128xf32, #tpu.memory_space<vmem>>) dst(%dma_wait3A_14 : memref<616x128xf32, #tpu.memory_space<hbm>>)
      tpu.yield
    }) : () -> ()
    return
  }
}

module attributes {stable_mosaic.version = 14 : i64} {
  func.func @_k1_body(%arg0: i32, %arg1: i32, %arg2: memref<1x64x37760xf32, #tpu.memory_space<vmem>>, %arg3: memref<768x576xf32, #tpu.memory_space<vmem>>, %arg4: memref<768x1xf32, #tpu.memory_space<vmem>>, %arg5: memref<8x768xf32, #tpu.memory_space<vmem>>, %arg6: memref<8x1xf32, #tpu.memory_space<vmem>>, %arg7: memref<1x8x2560xf32, #tpu.memory_space<vmem>>) attributes {dimension_semantics = [#tpu.dimension_semantics<parallel>, #tpu.dimension_semantics<parallel>], iteration_bounds = array<i64: 2, 12>, scalar_prefetch = 0 : i64, scratch_operands = 0 : i64, tpu.core_type = #tpu.core_type<tc>, window_params = [{transform_indices = @transform_0, window_bounds = array<i64: 1, 64, 37760>}, {pipeline_mode = #tpu.pipeline_mode<synchronous>, transform_indices = @transform_1, window_bounds = array<i64: 768, 576>}, {pipeline_mode = #tpu.pipeline_mode<synchronous>, transform_indices = @transform_2, window_bounds = array<i64: 768, 1>}, {pipeline_mode = #tpu.pipeline_mode<synchronous>, transform_indices = @transform_3, window_bounds = array<i64: 8, 768>}, {pipeline_mode = #tpu.pipeline_mode<synchronous>, transform_indices = @transform_4, window_bounds = array<i64: 8, 1>}, {transform_indices = @transform_5, window_bounds = array<i64: 1, 8, 2560>}]} {
    %mul3A = arith.constant 8 : i32
    %mul3A_0 = arith.muli %arg1, %mul3A : i32
    %add3A = arith.constant 0 : i32
    %add3A_1 = arith.addi %mul3A_0, %add3A : i32
    %mul3A_2 = arith.constant 384 : i32
    %mul3A_3 = arith.muli %add3A_1, %mul3A_2 : i32
    %multiple_of3A = tpu.assume_multiple %mul3A_3, 128 : i32
    %get3A = arith.constant 0 : index
    %get3A_4 = arith.constant 0 : index
    %get3A_5 = arith.index_cast %multiple_of3A : i32 to index
    %get3A_6 = vector.load %arg2[%get3A, %get3A_4, %get3A_5] : memref<1x64x37760xf32, #tpu.memory_space<vmem>>, vector<1x64x3200xf32>
    %get3A_7 = vector.shape_cast %get3A_6 : vector<1x64x3200xf32> to vector<64x3200xf32>
    %slice3A = vector.extract_strided_slice %get3A_7 {offsets = [0, 0], sizes = [64, 3072], strides = [1, 1]} : vector<64x3200xf32> to vector<64x3072xf32>
    %slice3A_8 = vector.extract_strided_slice %get3A_7 {offsets = [0, 1], sizes = [64, 3072], strides = [1, 1]} : vector<64x3200xf32> to vector<64x3072xf32>
    %slice3A_9 = vector.extract_strided_slice %get3A_7 {offsets = [0, 2], sizes = [64, 3072], strides = [1, 1]} : vector<64x3200xf32> to vector<64x3072xf32>
    %mul3A_10 = arith.constant 8 : i32
    %mul3A_11 = arith.muli %arg1, %mul3A_10 : i32
    %add3A_12 = arith.constant 1 : i32
    %add3A_13 = arith.addi %mul3A_11, %add3A_12 : i32
    %mul3A_14 = arith.constant 384 : i32
    %mul3A_15 = arith.muli %add3A_13, %mul3A_14 : i32
    %multiple_of3A_16 = tpu.assume_multiple %mul3A_15, 128 : i32
    %get3A_17 = arith.constant 0 : index
    %get3A_18 = arith.constant 0 : index
    %get3A_19 = arith.index_cast %multiple_of3A_16 : i32 to index
    %get3A_20 = vector.load %arg2[%get3A_17, %get3A_18, %get3A_19] : memref<1x64x37760xf32, #tpu.memory_space<vmem>>, vector<1x64x3200xf32>
    %get3A_21 = vector.shape_cast %get3A_20 : vector<1x64x3200xf32> to vector<64x3200xf32>
    %slice3A_22 = vector.extract_strided_slice %get3A_21 {offsets = [0, 0], sizes = [64, 3072], strides = [1, 1]} : vector<64x3200xf32> to vector<64x3072xf32>
    %slice3A_23 = vector.extract_strided_slice %get3A_21 {offsets = [0, 1], sizes = [64, 3072], strides = [1, 1]} : vector<64x3200xf32> to vector<64x3072xf32>
    %slice3A_24 = vector.extract_strided_slice %get3A_21 {offsets = [0, 2], sizes = [64, 3072], strides = [1, 1]} : vector<64x3200xf32> to vector<64x3072xf32>
    %mul3A_25 = arith.constant 8 : i32
    %mul3A_26 = arith.muli %arg1, %mul3A_25 : i32
    %add3A_27 = arith.constant 2 : i32
    %add3A_28 = arith.addi %mul3A_26, %add3A_27 : i32
    %mul3A_29 = arith.constant 384 : i32
    %mul3A_30 = arith.muli %add3A_28, %mul3A_29 : i32
    %multiple_of3A_31 = tpu.assume_multiple %mul3A_30, 128 : i32
    %get3A_32 = arith.constant 0 : index
    %get3A_33 = arith.constant 0 : index
    %get3A_34 = arith.index_cast %multiple_of3A_31 : i32 to index
    %get3A_35 = vector.load %arg2[%get3A_32, %get3A_33, %get3A_34] : memref<1x64x37760xf32, #tpu.memory_space<vmem>>, vector<1x64x3200xf32>
    %get3A_36 = vector.shape_cast %get3A_35 : vector<1x64x3200xf32> to vector<64x3200xf32>
    %slice3A_37 = vector.extract_strided_slice %get3A_36 {offsets = [0, 0], sizes = [64, 3072], strides = [1, 1]} : vector<64x3200xf32> to vector<64x3072xf32>
    %slice3A_38 = vector.extract_strided_slice %get3A_36 {offsets = [0, 1], sizes = [64, 3072], strides = [1, 1]} : vector<64x3200xf32> to vector<64x3072xf32>
    %slice3A_39 = vector.extract_strided_slice %get3A_36 {offsets = [0, 2], sizes = [64, 3072], strides = [1, 1]} : vector<64x3200xf32> to vector<64x3072xf32>
    %concatenate3A = tpu.concatenate %slice3A, %slice3A_8, %slice3A_9, %slice3A_22, %slice3A_23, %slice3A_24, %slice3A_37, %slice3A_38, %slice3A_39 in 0 : vector<64x3072xf32>, vector<64x3072xf32>, vector<64x3072xf32>, vector<64x3072xf32>, vector<64x3072xf32>, vector<64x3072xf32>, vector<64x3072xf32>, vector<64x3072xf32>, vector<64x3072xf32> -> vector<576x3072xf32>
    %get3A_40 = arith.constant 0 : index
    %get3A_41 = arith.constant 0 : index
    %get3A_42 = vector.load %arg3[%get3A_40, %get3A_41] : memref<768x576xf32, #tpu.memory_space<vmem>>, vector<768x576xf32>
    %dot_general3A = arith.constant dense<0.000000e+00> : vector<768x3072xf32>
    %dot_general3A_43 = tpu.matmul %get3A_42, %concatenate3A, %dot_general3A {dimension_numbers = #tpu.dot_dimension_numbers<[1], [0], [0], [1], [0, 0, 1, 1], [], []>, transpose_lhs_hint = false} : vector<768x576xf32>, vector<576x3072xf32>, vector<768x3072xf32> -> vector<768x3072xf32>
    %get3A_44 = arith.constant 0 : index
    %get3A_45 = arith.constant 0 : index
    %get3A_46 = vector.load %arg4[%get3A_44, %get3A_45] : memref<768x1xf32, #tpu.memory_space<vmem>>, vector<768x1xf32>
    %add3A_47 = vector.broadcast %get3A_46 : vector<768x1xf32> to vector<768x3072xf32>
    %add3A_48 = arith.addf %dot_general3A_43, %add3A_47 : vector<768x3072xf32>
    %max3A = arith.constant 0.000000e+00 : f32
    %max3A_49 = vector.broadcast %max3A : f32 to vector<768x3072xf32>
    %max3A_50 = arith.maximumf %add3A_48, %max3A_49 : vector<768x3072xf32>
    %get3A_51 = arith.constant 0 : index
    %get3A_52 = arith.constant 0 : index
    %get3A_53 = vector.load %arg5[%get3A_51, %get3A_52] : memref<8x768xf32, #tpu.memory_space<vmem>>, vector<8x768xf32>
    %dot_general3A_54 = arith.constant dense<0.000000e+00> : vector<8x3072xf32>
    %dot_general3A_55 = tpu.matmul %get3A_53, %max3A_50, %dot_general3A_54 {dimension_numbers = #tpu.dot_dimension_numbers<[1], [0], [0], [1], [0, 0, 1, 1], [], []>, transpose_lhs_hint = false} : vector<8x768xf32>, vector<768x3072xf32>, vector<8x3072xf32> -> vector<8x3072xf32>
    %get3A_56 = arith.constant 0 : index
    %get3A_57 = arith.constant 0 : index
    %get3A_58 = vector.load %arg6[%get3A_56, %get3A_57] : memref<8x1xf32, #tpu.memory_space<vmem>>, vector<8x1xf32>
    %add3A_59 = vector.broadcast %get3A_58 : vector<8x1xf32> to vector<8x3072xf32>
    %add3A_60 = arith.addf %dot_general3A_55, %add3A_59 : vector<8x3072xf32>
    %slice3A_61 = vector.extract_strided_slice %add3A_60 {offsets = [0, 0], sizes = [8, 320], strides = [1, 1]} : vector<8x3072xf32> to vector<8x320xf32>
    %swap3A = arith.constant 0 : index
    %swap3A_62 = arith.constant 0 : index
    %swap3A_63 = arith.constant 0 : index
    %swap3A_64 = vector.load %arg7[%swap3A, %swap3A_62, %swap3A_63] : memref<1x8x2560xf32, #tpu.memory_space<vmem>>, vector<1x8x320xf32>
    %swap3A_65 = vector.shape_cast %swap3A_64 : vector<1x8x320xf32> to vector<8x320xf32>
    %swap3A_66 = vector.shape_cast %slice3A_61 : vector<8x320xf32> to vector<1x8x320xf32>
    tpu.vector_store %arg7[%swap3A, %swap3A_62, %swap3A_63], %swap3A_66 {strides = array<i32>} : memref<1x8x2560xf32, #tpu.memory_space<vmem>>, vector<1x8x320xf32>,
    %slice3A_67 = vector.extract_strided_slice %add3A_60 {offsets = [0, 384], sizes = [8, 320], strides = [1, 1]} : vector<8x3072xf32> to vector<8x320xf32>
    %swap3A_68 = arith.constant 0 : index
    %swap3A_69 = arith.constant 0 : index
    %swap3A_70 = arith.constant 320 : index
    %swap3A_71 = vector.load %arg7[%swap3A_68, %swap3A_69, %swap3A_70] : memref<1x8x2560xf32, #tpu.memory_space<vmem>>, vector<1x8x320xf32>
    %swap3A_72 = vector.shape_cast %swap3A_71 : vector<1x8x320xf32> to vector<8x320xf32>
    %swap3A_73 = vector.shape_cast %slice3A_67 : vector<8x320xf32> to vector<1x8x320xf32>
    tpu.vector_store %arg7[%swap3A_68, %swap3A_69, %swap3A_70], %swap3A_73 {strides = array<i32>} : memref<1x8x2560xf32, #tpu.memory_space<vmem>>, vector<1x8x320xf32>,
    %slice3A_74 = vector.extract_strided_slice %add3A_60 {offsets = [0, 768], sizes = [8, 320], strides = [1, 1]} : vector<8x3072xf32> to vector<8x320xf32>
    %swap3A_75 = arith.constant 0 : index
    %swap3A_76 = arith.constant 0 : index
    %swap3A_77 = arith.constant 640 : index
    %swap3A_78 = vector.load %arg7[%swap3A_75, %swap3A_76, %swap3A_77] : memref<1x8x2560xf32, #tpu.memory_space<vmem>>, vector<1x8x320xf32>
    %swap3A_79 = vector.shape_cast %swap3A_78 : vector<1x8x320xf32> to vector<8x320xf32>
    %swap3A_80 = vector.shape_cast %slice3A_74 : vector<8x320xf32> to vector<1x8x320xf32>
    tpu.vector_store %arg7[%swap3A_75, %swap3A_76, %swap3A_77], %swap3A_80 {strides = array<i32>} : memref<1x8x2560xf32, #tpu.memory_space<vmem>>, vector<1x8x320xf32>,
    %slice3A_81 = vector.extract_strided_slice %add3A_60 {offsets = [0, 1152], sizes = [8, 320], strides = [1, 1]} : vector<8x3072xf32> to vector<8x320xf32>
    %swap3A_82 = arith.constant 0 : index
    %swap3A_83 = arith.constant 0 : index
    %swap3A_84 = arith.constant 960 : index
    %swap3A_85 = vector.load %arg7[%swap3A_82, %swap3A_83, %swap3A_84] : memref<1x8x2560xf32, #tpu.memory_space<vmem>>, vector<1x8x320xf32>
    %swap3A_86 = vector.shape_cast %swap3A_85 : vector<1x8x320xf32> to vector<8x320xf32>
    %swap3A_87 = vector.shape_cast %slice3A_81 : vector<8x320xf32> to vector<1x8x320xf32>
    tpu.vector_store %arg7[%swap3A_82, %swap3A_83, %swap3A_84], %swap3A_87 {strides = array<i32>} : memref<1x8x2560xf32, #tpu.memory_space<vmem>>, vector<1x8x320xf32>,
    %slice3A_88 = vector.extract_strided_slice %add3A_60 {offsets = [0, 1536], sizes = [8, 320], strides = [1, 1]} : vector<8x3072xf32> to vector<8x320xf32>
    %swap3A_89 = arith.constant 0 : index
    %swap3A_90 = arith.constant 0 : index
    %swap3A_91 = arith.constant 1280 : index
    %swap3A_92 = vector.load %arg7[%swap3A_89, %swap3A_90, %swap3A_91] : memref<1x8x2560xf32, #tpu.memory_space<vmem>>, vector<1x8x320xf32>
    %swap3A_93 = vector.shape_cast %swap3A_92 : vector<1x8x320xf32> to vector<8x320xf32>
    %swap3A_94 = vector.shape_cast %slice3A_88 : vector<8x320xf32> to vector<1x8x320xf32>
    tpu.vector_store %arg7[%swap3A_89, %swap3A_90, %swap3A_91], %swap3A_94 {strides = array<i32>} : memref<1x8x2560xf32, #tpu.memory_space<vmem>>, vector<1x8x320xf32>,
    %slice3A_95 = vector.extract_strided_slice %add3A_60 {offsets = [0, 1920], sizes = [8, 320], strides = [1, 1]} : vector<8x3072xf32> to vector<8x320xf32>
    %swap3A_96 = arith.constant 0 : index
    %swap3A_97 = arith.constant 0 : index
    %swap3A_98 = arith.constant 1600 : index
    %swap3A_99 = vector.load %arg7[%swap3A_96, %swap3A_97, %swap3A_98] : memref<1x8x2560xf32, #tpu.memory_space<vmem>>, vector<1x8x320xf32>
    %swap3A_100 = vector.shape_cast %swap3A_99 : vector<1x8x320xf32> to vector<8x320xf32>
    %swap3A_101 = vector.shape_cast %slice3A_95 : vector<8x320xf32> to vector<1x8x320xf32>
    tpu.vector_store %arg7[%swap3A_96, %swap3A_97, %swap3A_98], %swap3A_101 {strides = array<i32>} : memref<1x8x2560xf32, #tpu.memory_space<vmem>>, vector<1x8x320xf32>,
    %slice3A_102 = vector.extract_strided_slice %add3A_60 {offsets = [0, 2304], sizes = [8, 320], strides = [1, 1]} : vector<8x3072xf32> to vector<8x320xf32>
    %swap3A_103 = arith.constant 0 : index
    %swap3A_104 = arith.constant 0 : index
    %swap3A_105 = arith.constant 1920 : index
    %swap3A_106 = vector.load %arg7[%swap3A_103, %swap3A_104, %swap3A_105] : memref<1x8x2560xf32, #tpu.memory_space<vmem>>, vector<1x8x320xf32>
    %swap3A_107 = vector.shape_cast %swap3A_106 : vector<1x8x320xf32> to vector<8x320xf32>
    %swap3A_108 = vector.shape_cast %slice3A_102 : vector<8x320xf32> to vector<1x8x320xf32>
    tpu.vector_store %arg7[%swap3A_103, %swap3A_104, %swap3A_105], %swap3A_108 {strides = array<i32>} : memref<1x8x2560xf32, #tpu.memory_space<vmem>>, vector<1x8x320xf32>,
    %slice3A_109 = vector.extract_strided_slice %add3A_60 {offsets = [0, 2688], sizes = [8, 320], strides = [1, 1]} : vector<8x3072xf32> to vector<8x320xf32>
    %swap3A_110 = arith.constant 0 : index
    %swap3A_111 = arith.constant 0 : index
    %swap3A_112 = arith.constant 2240 : index
    %swap3A_113 = vector.load %arg7[%swap3A_110, %swap3A_111, %swap3A_112] : memref<1x8x2560xf32, #tpu.memory_space<vmem>>, vector<1x8x320xf32>
    %swap3A_114 = vector.shape_cast %swap3A_113 : vector<1x8x320xf32> to vector<8x320xf32>
    %swap3A_115 = vector.shape_cast %slice3A_109 : vector<8x320xf32> to vector<1x8x320xf32>
    tpu.vector_store %arg7[%swap3A_110, %swap3A_111, %swap3A_112], %swap3A_115 {strides = array<i32>} : memref<1x8x2560xf32, #tpu.memory_space<vmem>>, vector<1x8x320xf32>,
    return
  }
  func.func @transform_0(%arg0: i32, %arg1: i32) -> (i32, i32, i32) {
    %c0_i32 = arith.constant 0 : i32
    %c0_i32_0 = arith.constant 0 : i32
    %c0_i32_1 = arith.constant 0 : i32
    return %arg0, %c0_i32, %c0_i32_0 : i32, i32, i32
  }
  func.func @transform_1(%arg0: i32, %arg1: i32) -> (i32, i32) {
    %c0_i32 = arith.constant 0 : i32
    %c0_i32_0 = arith.constant 0 : i32
    %c0_i32_1 = arith.constant 0 : i32
    return %c0_i32, %c0_i32_0 : i32, i32
  }
  func.func @transform_2(%arg0: i32, %arg1: i32) -> (i32, i32) {
    %c0_i32 = arith.constant 0 : i32
    %c0_i32_0 = arith.constant 0 : i32
    %c0_i32_1 = arith.constant 0 : i32
    return %c0_i32, %c0_i32_0 : i32, i32
  }
  func.func @transform_3(%arg0: i32, %arg1: i32) -> (i32, i32) {
    %c0_i32 = arith.constant 0 : i32
    %c0_i32_0 = arith.constant 0 : i32
    %c0_i32_1 = arith.constant 0 : i32
    return %c0_i32, %c0_i32_0 : i32, i32
  }
  func.func @transform_4(%arg0: i32, %arg1: i32) -> (i32, i32) {
    %c0_i32 = arith.constant 0 : i32
    %c0_i32_0 = arith.constant 0 : i32
    %c0_i32_1 = arith.constant 0 : i32
    return %c0_i32, %c0_i32_0 : i32, i32
  }
  func.func @transform_5(%arg0: i32, %arg1: i32) -> (i32, i32, i32) {
    %c0_i32 = arith.constant 0 : i32
    %c0_i32_0 = arith.constant 0 : i32
    return %arg0, %c0_i32, %arg1 : i32, i32, i32
  }
}

module attributes {stable_mosaic.version = 14 : i64} {
  func.func @_k2_body(%arg0: i32, %arg1: memref<1x3x96x320xf32, #tpu.memory_space<vmem>>, %arg2: memref<1x2x96x320xf32, #tpu.memory_space<vmem>>, %arg3: memref<1x2x96x320xf32, #tpu.memory_space<vmem>>, %arg4: memref<1x8x128xf32, #tpu.memory_space<vmem>>, %arg5: memref<3x96x320xf32, #tpu.memory_space<vmem>>) attributes {dimension_semantics = [#tpu.dimension_semantics<parallel>], iteration_bounds = array<i64: 2>, scalar_prefetch = 0 : i64, scratch_operands = 1 : i64, tpu.core_type = #tpu.core_type<tc>, window_params = [{transform_indices = @transform_0, window_bounds = array<i64: 1, 3, 96, 320>}, {transform_indices = @transform_1, window_bounds = array<i64: 1, 2, 96, 320>}, {transform_indices = @transform_2, window_bounds = array<i64: 1, 2, 96, 320>}, {transform_indices = @transform_3, window_bounds = array<i64: 1, 8, 128>}]} {
    %get3A = arith.constant 0 : index
    %get3A_0 = arith.constant 0 : index
    %get3A_1 = arith.constant 0 : index
    %get3A_2 = arith.constant 0 : index
    %get3A_3 = vector.load %arg1[%get3A, %get3A_0, %get3A_1, %get3A_2] : memref<1x3x96x320xf32, #tpu.memory_space<vmem>>, vector<1x3x96x320xf32>
    %get3A_4 = vector.shape_cast %get3A_3 : vector<1x3x96x320xf32> to vector<3x96x320xf32>
    %slice3A = vector.extract_strided_slice %get3A_4 {offsets = [0, 1, 0], sizes = [3, 95, 320], strides = [1, 1, 1]} : vector<3x96x320xf32> to vector<3x95x320xf32>
    %broadcast_in_dim3A = arith.constant 0xFF800000 : f32
    %broadcast_in_dim3A_5 = vector.broadcast %broadcast_in_dim3A : f32 to vector<3x1x320xf32>
    %concatenate3A = tpu.concatenate %slice3A, %broadcast_in_dim3A_5 in 1 : vector<3x95x320xf32>, vector<3x1x320xf32> -> vector<3x96x320xf32>
    %broadcast_in_dim3A_6 = arith.constant 0xFF800000 : f32
    %broadcast_in_dim3A_7 = vector.broadcast %broadcast_in_dim3A_6 : f32 to vector<3x1x320xf32>
    %slice3A_8 = vector.extract_strided_slice %get3A_4 {offsets = [0, 0, 0], sizes = [3, 95, 320], strides = [1, 1, 1]} : vector<3x96x320xf32> to vector<3x95x320xf32>
    %concatenate3A_9 = tpu.concatenate %broadcast_in_dim3A_7, %slice3A_8 in 1 : vector<3x1x320xf32>, vector<3x95x320xf32> -> vector<3x96x320xf32>
    %max3A = arith.maximumf %get3A_4, %concatenate3A : vector<3x96x320xf32>
    %max3A_10 = arith.maximumf %max3A, %concatenate3A_9 : vector<3x96x320xf32>
    %slice3A_11 = vector.extract_strided_slice %max3A_10 {offsets = [0, 0, 1], sizes = [3, 96, 319], strides = [1, 1, 1]} : vector<3x96x320xf32> to vector<3x96x319xf32>
    %broadcast_in_dim3A_12 = arith.constant 0xFF800000 : f32
    %broadcast_in_dim3A_13 = vector.broadcast %broadcast_in_dim3A_12 : f32 to vector<3x96x1xf32>
    %concatenate3A_14 = tpu.concatenate %slice3A_11, %broadcast_in_dim3A_13 in 2 : vector<3x96x319xf32>, vector<3x96x1xf32> -> vector<3x96x320xf32>
    %broadcast_in_dim3A_15 = arith.constant 0xFF800000 : f32
    %broadcast_in_dim3A_16 = vector.broadcast %broadcast_in_dim3A_15 : f32 to vector<3x96x1xf32>
    %slice3A_17 = vector.extract_strided_slice %max3A_10 {offsets = [0, 0, 0], sizes = [3, 96, 319], strides = [1, 1, 1]} : vector<3x96x320xf32> to vector<3x96x319xf32>
    %concatenate3A_18 = tpu.concatenate %broadcast_in_dim3A_16, %slice3A_17 in 2 : vector<3x96x1xf32>, vector<3x96x319xf32> -> vector<3x96x320xf32>
    %max3A_19 = arith.maximumf %max3A_10, %concatenate3A_14 : vector<3x96x320xf32>
    %max3A_20 = arith.maximumf %max3A_19, %concatenate3A_18 : vector<3x96x320xf32>
    %eq3A = arith.cmpf oeq, %max3A_20, %get3A_4 : vector<3x96x320xf32>
    %convert_element_type3A = arith.extui %eq3A : vector<3x96x320xi1> to vector<3x96x320xi32>
    %convert_element_type3A_21 = arith.sitofp %convert_element_type3A : vector<3x96x320xi32> to vector<3x96x320xf32>
    %mul3A = arith.mulf %get3A_4, %convert_element_type3A_21 : vector<3x96x320xf32>
    %swap3A = arith.constant 0 : index
    %swap3A_22 = arith.constant 0 : index
    %swap3A_23 = arith.constant 0 : index
    %swap3A_24 = vector.load %arg5[%swap3A, %swap3A_22, %swap3A_23] : memref<3x96x320xf32, #tpu.memory_space<vmem>>, vector<3x96x320xf32>
    tpu.vector_store %arg5[%swap3A, %swap3A_22, %swap3A_23], %mul3A {strides = array<i32>} : memref<3x96x320xf32, #tpu.memory_space<vmem>>, vector<3x96x320xf32>,
    %iota3A = tpu.iota {dimensions = array<i32: 0>} : vector<3x96x320xi32>
    %iota3A_25 = tpu.iota {dimensions = array<i32: 1>} : vector<3x96x320xi32>
    %iota3A_26 = tpu.iota {dimensions = array<i32: 2>} : vector<3x96x320xi32>
    %mul3A_27 = arith.constant 30720 : i32
    %mul3A_28 = vector.broadcast %mul3A_27 : i32 to vector<3x96x320xi32>
    %mul3A_29 = arith.muli %iota3A, %mul3A_28 : vector<3x96x320xi32>
    %mul3A_30 = arith.constant 320 : i32
    %mul3A_31 = vector.broadcast %mul3A_30 : i32 to vector<3x96x320xi32>
    %mul3A_32 = arith.muli %iota3A_25, %mul3A_31 : vector<3x96x320xi32>
    %add3A = arith.addi %mul3A_29, %mul3A_32 : vector<3x96x320xi32>
    %add3A_33 = arith.addi %add3A, %iota3A_26 : vector<3x96x320xi32>
    %slice3A_34 = vector.extract_strided_slice %iota3A_25 {offsets = [0, 0, 0], sizes = [1, 96, 320], strides = [1, 1, 1]} : vector<3x96x320xi32> to vector<1x96x320xi32>
    %squeeze3A = vector.shape_cast %slice3A_34 : vector<1x96x320xi32> to vector<96x320xi32>
    %mul3A_35 = arith.constant 320 : i32
    %mul3A_36 = vector.broadcast %mul3A_35 : i32 to vector<96x320xi32>
    %mul3A_37 = arith.muli %squeeze3A, %mul3A_36 : vector<96x320xi32>
    %slice3A_38 = vector.extract_strided_slice %iota3A_26 {offsets = [0, 0, 0], sizes = [1, 96, 320], strides = [1, 1, 1]} : vector<3x96x320xi32> to vector<1x96x320xi32>
    %squeeze3A_39 = vector.shape_cast %slice3A_38 : vector<1x96x320xi32> to vector<96x320xi32>
    %add3A_40 = arith.addi %mul3A_37, %squeeze3A_39 : vector<96x320xi32>
    %iota3A_41 = tpu.iota {dimensions = array<i32: 1>} : vector<8x128xi32>
    %iota3A_42 = tpu.iota {dimensions = array<i32: 0>} : vector<8x128xi32>
    %broadcast_in_dim3A_43 = arith.constant 0.000000e+00 : f32
    %broadcast_in_dim3A_44 = vector.broadcast %broadcast_in_dim3A_43 : f32 to vector<8x128xf32>
    %scan3A = arith.constant 2147483647 : i32
    %scan3A_45 = arith.constant 0xFF800000 : f32
    %scan3A_46 = arith.constant 0 : i32
    %scan3A_47 = arith.constant 50 : i32
    %scan3A_48 = arith.addi %scan3A_46, %scan3A_47 : i32
    %scan3A_49 = arith.constant 1 : i32
    %scan3A_50 = scf.for %scan3A_58 = %scan3A_46 to %scan3A_48 step %scan3A_49 iter_args(%scan3A_59 = %broadcast_in_dim3A_44) -> (vector<8x128xf32>)  : i32 {
      %get3A_60 = arith.constant 0 : index
      %get3A_61 = arith.constant 0 : index
      %get3A_62 = arith.constant 0 : index
      %get3A_63 = vector.load %arg5[%get3A_60, %get3A_61, %get3A_62] : memref<3x96x320xf32, #tpu.memory_space<vmem>>, vector<3x96x320xf32>
      %reduce_max3A = vector.shape_cast %get3A_63 : vector<3x96x320xf32> to vector<1x3x96x320xf32>
      %reduce_max3A_64 = arith.constant dense<0xFF800000> : vector<1xf32>
      %reduce_max3A_65 = vector.multi_reduction <maximumf>, %reduce_max3A, %reduce_max3A_64 [1, 2, 3] : vector<1x3x96x320xf32> to vector<1xf32>
      %reduce_max3A_66 = vector.shape_cast %reduce_max3A_65 : vector<1xf32> to vector<1x1x1x1xf32>
      %reduce_max3A_67 = vector.extract %reduce_max3A_66[0, 0, 0, 0] : f32 from vector<1x1x1x1xf32>
      %eq3A_68 = vector.broadcast %reduce_max3A_67 : f32 to vector<3x96x320xf32>
      %eq3A_69 = arith.cmpf oeq, %get3A_63, %eq3A_68 : vector<3x96x320xf32>
      %broadcast_in_dim3A_70 = vector.broadcast %scan3A : i32 to vector<3x96x320xi32>
      %select_n3A = arith.select %eq3A_69, %add3A_33, %broadcast_in_dim3A_70 : vector<3x96x320xi1>, vector<3x96x320xi32>
      %reduce_min3A = vector.shape_cast %select_n3A : vector<3x96x320xi32> to vector<1x3x96x320xi32>
      %reduce_min3A_71 = arith.constant dense<2147483647> : vector<1xi32>
      %reduce_min3A_72 = vector.multi_reduction <minsi>, %reduce_min3A, %reduce_min3A_71 [1, 2, 3] : vector<1x3x96x320xi32> to vector<1xi32>
      %reduce_min3A_73 = vector.shape_cast %reduce_min3A_72 : vector<1xi32> to vector<1x1x1x1xi32>
      %reduce_min3A_74 = vector.extract %reduce_min3A_73[0, 0, 0, 0] : i32 from vector<1x1x1x1xi32>
      %eq3A_75 = vector.broadcast %reduce_min3A_74 : i32 to vector<3x96x320xi32>
      %eq3A_76 = arith.cmpi eq, %add3A_33, %eq3A_75 : vector<3x96x320xi32>
      %broadcast_in_dim3A_77 = vector.broadcast %scan3A_45 : f32 to vector<3x96x320xf32>
      %select_n3A_78 = arith.select %eq3A_76, %broadcast_in_dim3A_77, %get3A_63 : vector<3x96x320xi1>, vector<3x96x320xf32>
      %swap3A_79 = arith.constant 0 : index
      %swap3A_80 = arith.constant 0 : index
      %swap3A_81 = arith.constant 0 : index
      %swap3A_82 = vector.load %arg5[%swap3A_79, %swap3A_80, %swap3A_81] : memref<3x96x320xf32, #tpu.memory_space<vmem>>, vector<3x96x320xf32>
      tpu.vector_store %arg5[%swap3A_79, %swap3A_80, %swap3A_81], %select_n3A_78 {strides = array<i32>} : memref<3x96x320xf32, #tpu.memory_space<vmem>>, vector<3x96x320xf32>,
      %jit3A = arith.constant 30720 : i32
      %eq3A_83 = arith.constant 0 : i32
      %eq3A_84 = arith.cmpi eq, %jit3A, %eq3A_83 : i32
      %jit3A_85 = arith.constant 1 : i32
      %select_n3A_86 = arith.select %eq3A_84, %jit3A_85, %jit3A : i32
      %rem3A = arith.remsi %reduce_min3A_74, %select_n3A_86 : i32
      %ne3A = arith.constant 0 : i32
      %ne3A_87 = arith.cmpi ne, %rem3A, %ne3A : i32
      %lt3A = arith.constant 0 : i32
      %lt3A_88 = arith.cmpi slt, %rem3A, %lt3A : i32
      %lt3A_89 = arith.constant 0 : i32
      %lt3A_90 = arith.cmpi slt, %select_n3A_86, %lt3A_89 : i32
      %ne3A_91 = arith.xori %lt3A_88, %lt3A_90 : i1
      %and3A = arith.andi %ne3A_91, %ne3A_87 : i1
      %add3A_92 = arith.addi %rem3A, %select_n3A_86 : i32
      %select_n3A_93 = arith.select %and3A, %add3A_92, %rem3A : i32
      %eq3A_94 = vector.broadcast %select_n3A_93 : i32 to vector<96x320xi32>
      %eq3A_95 = arith.cmpi eq, %add3A_40, %eq3A_94 : vector<96x320xi32>
      %get3A_96 = arith.constant 0 : index
      %get3A_97 = arith.constant 0 : index
      %get3A_98 = arith.constant 0 : index
      %get3A_99 = arith.constant 0 : index
      %get3A_100 = vector.load %arg2[%get3A_96, %get3A_97, %get3A_98, %get3A_99] : memref<1x2x96x320xf32, #tpu.memory_space<vmem>>, vector<1x1x96x320xf32>
      %get3A_101 = vector.shape_cast %get3A_100 : vector<1x1x96x320xf32> to vector<96x320xf32>
      %jit3A_102 = arith.constant 0.000000e+00 : f32
      %broadcast_in_dim3A_103 = vector.broadcast %jit3A_102 : f32 to vector<96x320xf32>
      %select_n3A_104 = arith.select %eq3A_95, %get3A_101, %broadcast_in_dim3A_103 : vector<96x320xi1>, vector<96x320xf32>
      %reduce_sum3A = vector.shape_cast %select_n3A_104 : vector<96x320xf32> to vector<1x96x320xf32>
      %reduce_sum3A_105 = arith.constant dense<0.000000e+00> : vector<1xf32>
      %reduce_sum3A_106 = vector.multi_reduction <add>, %reduce_sum3A, %reduce_sum3A_105 [1, 2] : vector<1x96x320xf32> to vector<1xf32>
      %reduce_sum3A_107 = vector.shape_cast %reduce_sum3A_106 : vector<1xf32> to vector<1x1x1xf32>
      %reduce_sum3A_108 = vector.extract %reduce_sum3A_107[0, 0, 0] : f32 from vector<1x1x1xf32>
      %get3A_109 = arith.constant 0 : index
      %get3A_110 = arith.constant 1 : index
      %get3A_111 = arith.constant 0 : index
      %get3A_112 = arith.constant 0 : index
      %get3A_113 = vector.load %arg2[%get3A_109, %get3A_110, %get3A_111, %get3A_112] : memref<1x2x96x320xf32, #tpu.memory_space<vmem>>, vector<1x1x96x320xf32>
      %get3A_114 = vector.shape_cast %get3A_113 : vector<1x1x96x320xf32> to vector<96x320xf32>
      %jit3A_115 = arith.constant 0.000000e+00 : f32
      %broadcast_in_dim3A_116 = vector.broadcast %jit3A_115 : f32 to vector<96x320xf32>
      %select_n3A_117 = arith.select %eq3A_95, %get3A_114, %broadcast_in_dim3A_116 : vector<96x320xi1>, vector<96x320xf32>
      %reduce_sum3A_118 = vector.shape_cast %select_n3A_117 : vector<96x320xf32> to vector<1x96x320xf32>
      %reduce_sum3A_119 = arith.constant dense<0.000000e+00> : vector<1xf32>
      %reduce_sum3A_120 = vector.multi_reduction <add>, %reduce_sum3A_118, %reduce_sum3A_119 [1, 2] : vector<1x96x320xf32> to vector<1xf32>
      %reduce_sum3A_121 = vector.shape_cast %reduce_sum3A_120 : vector<1xf32> to vector<1x1x1xf32>
      %reduce_sum3A_122 = vector.extract %reduce_sum3A_121[0, 0, 0] : f32 from vector<1x1x1xf32>
      %get3A_123 = arith.constant 0 : index
      %get3A_124 = arith.constant 0 : index
      %get3A_125 = arith.constant 0 : index
      %get3A_126 = arith.constant 0 : index
      %get3A_127 = vector.load %arg3[%get3A_123, %get3A_124, %get3A_125, %get3A_126] : memref<1x2x96x320xf32, #tpu.memory_space<vmem>>, vector<1x1x96x320xf32>
      %get3A_128 = vector.shape_cast %get3A_127 : vector<1x1x96x320xf32> to vector<96x320xf32>
      %jit3A_129 = arith.constant 0.000000e+00 : f32
      %broadcast_in_dim3A_130 = vector.broadcast %jit3A_129 : f32 to vector<96x320xf32>
      %select_n3A_131 = arith.select %eq3A_95, %get3A_128, %broadcast_in_dim3A_130 : vector<96x320xi1>, vector<96x320xf32>
      %reduce_sum3A_132 = vector.shape_cast %select_n3A_131 : vector<96x320xf32> to vector<1x96x320xf32>
      %reduce_sum3A_133 = arith.constant dense<0.000000e+00> : vector<1xf32>
      %reduce_sum3A_134 = vector.multi_reduction <add>, %reduce_sum3A_132, %reduce_sum3A_133 [1, 2] : vector<1x96x320xf32> to vector<1xf32>
      %reduce_sum3A_135 = vector.shape_cast %reduce_sum3A_134 : vector<1xf32> to vector<1x1x1xf32>
      %reduce_sum3A_136 = vector.extract %reduce_sum3A_135[0, 0, 0] : f32 from vector<1x1x1xf32>
      %get3A_137 = arith.constant 0 : index
      %get3A_138 = arith.constant 1 : index
      %get3A_139 = arith.constant 0 : index
      %get3A_140 = arith.constant 0 : index
      %get3A_141 = vector.load %arg3[%get3A_137, %get3A_138, %get3A_139, %get3A_140] : memref<1x2x96x320xf32, #tpu.memory_space<vmem>>, vector<1x1x96x320xf32>
      %get3A_142 = vector.shape_cast %get3A_141 : vector<1x1x96x320xf32> to vector<96x320xf32>
      %jit3A_143 = arith.constant 0.000000e+00 : f32
      %broadcast_in_dim3A_144 = vector.broadcast %jit3A_143 : f32 to vector<96x320xf32>
      %select_n3A_145 = arith.select %eq3A_95, %get3A_142, %broadcast_in_dim3A_144 : vector<96x320xi1>, vector<96x320xf32>
      %reduce_sum3A_146 = vector.shape_cast %select_n3A_145 : vector<96x320xf32> to vector<1x96x320xf32>
      %reduce_sum3A_147 = arith.constant dense<0.000000e+00> : vector<1xf32>
      %reduce_sum3A_148 = vector.multi_reduction <add>, %reduce_sum3A_146, %reduce_sum3A_147 [1, 2] : vector<1x96x320xf32> to vector<1xf32>
      %reduce_sum3A_149 = vector.shape_cast %reduce_sum3A_148 : vector<1xf32> to vector<1x1x1xf32>
      %reduce_sum3A_150 = vector.extract %reduce_sum3A_149[0, 0, 0] : f32 from vector<1x1x1xf32>
      %jit3A_151 = arith.constant 320 : i32
      %eq3A_152 = arith.constant 0 : i32
      %eq3A_153 = arith.cmpi eq, %jit3A_151, %eq3A_152 : i32
      %jit3A_154 = arith.constant 1 : i32
      %select_n3A_155 = arith.select %eq3A_153, %jit3A_154, %jit3A_151 : i32
      %rem3A_156 = arith.remsi %select_n3A_93, %select_n3A_155 : i32
      %ne3A_157 = arith.constant 0 : i32
      %ne3A_158 = arith.cmpi ne, %rem3A_156, %ne3A_157 : i32
      %lt3A_159 = arith.constant 0 : i32
      %lt3A_160 = arith.cmpi slt, %rem3A_156, %lt3A_159 : i32
      %lt3A_161 = arith.constant 0 : i32
      %lt3A_162 = arith.cmpi slt, %select_n3A_155, %lt3A_161 : i32
      %ne3A_163 = arith.xori %lt3A_160, %lt3A_162 : i1
      %and3A_164 = arith.andi %ne3A_163, %ne3A_158 : i1
      %add3A_165 = arith.addi %rem3A_156, %select_n3A_155 : i32
      %select_n3A_166 = arith.select %and3A_164, %add3A_165, %rem3A_156 : i32
      %convert_element_type3A_167 = arith.sitofp %select_n3A_166 : i32 to f32
      %add3A_168 = arith.addf %convert_element_type3A_167, %reduce_sum3A_108 : f32
      %jit3A_169 = arith.constant 320 : i32
      %div3A = arith.divsi %select_n3A_93, %jit3A_169 : i32
      %sign3A = arith.constant 0 : i32
      %sign3A_170 = arith.cmpi sgt, %select_n3A_93, %sign3A : i32
      %sign3A_171 = arith.extui %sign3A_170 : i1 to i32
      %sign3A_172 = arith.constant 0 : i32
      %sign3A_173 = arith.cmpi slt, %select_n3A_93, %sign3A_172 : i32
      %sign3A_174 = arith.extui %sign3A_173 : i1 to i32
      %sign3A_175 = arith.subi %sign3A_171, %sign3A_174 : i32
      %sign3A_176 = arith.constant 0 : i32
      %sign3A_177 = arith.cmpi sgt, %jit3A_169, %sign3A_176 : i32
      %sign3A_178 = arith.extui %sign3A_177 : i1 to i32
      %sign3A_179 = arith.constant 0 : i32
      %sign3A_180 = arith.cmpi slt, %jit3A_169, %sign3A_179 : i32
      %sign3A_181 = arith.extui %sign3A_180 : i1 to i32
      %sign3A_182 = arith.subi %sign3A_178, %sign3A_181 : i32
      %ne3A_183 = arith.cmpi ne, %sign3A_175, %sign3A_182 : i32
      %rem3A_184 = arith.remsi %select_n3A_93, %jit3A_169 : i32
      %ne3A_185 = arith.constant 0 : i32
      %ne3A_186 = arith.cmpi ne, %rem3A_184, %ne3A_185 : i32
      %and3A_187 = arith.andi %ne3A_183, %ne3A_186 : i1
      %sub3A = arith.constant 1 : i32
      %sub3A_188 = arith.subi %div3A, %sub3A : i32
      %select_n3A_189 = arith.select %and3A_187, %sub3A_188, %div3A : i32
      %convert_element_type3A_190 = arith.sitofp %select_n3A_189 : i32 to f32
      %add3A_191 = arith.addf %convert_element_type3A_190, %reduce_sum3A_122 : f32
      %eq3A_192 = arith.constant 0 : i32
      %eq3A_193 = vector.broadcast %eq3A_192 : i32 to vector<8x128xi32>
      %eq3A_194 = arith.cmpi eq, %iota3A_42, %eq3A_193 : vector<8x128xi32>
      %div3A_195 = arith.constant 2.000000e+00 : f32
      %div3A_196 = arith.divf %reduce_sum3A_136, %div3A_195 : f32
      %sub3A_197 = arith.subf %add3A_168, %div3A_196 : f32
      %jit3A_198 = arith.constant 0.000000e+00 : f32
      %broadcast_in_dim3A_199 = vector.broadcast %sub3A_197 : f32 to vector<8x128xf32>
      %broadcast_in_dim3A_200 = vector.broadcast %jit3A_198 : f32 to vector<8x128xf32>
      %select_n3A_201 = arith.select %eq3A_194, %broadcast_in_dim3A_199, %broadcast_in_dim3A_200 : vector<8x128xi1>, vector<8x128xf32>
      %eq3A_202 = arith.constant 1 : i32
      %eq3A_203 = vector.broadcast %eq3A_202 : i32 to vector<8x128xi32>
      %eq3A_204 = arith.cmpi eq, %iota3A_42, %eq3A_203 : vector<8x128xi32>
      %div3A_205 = arith.constant 2.000000e+00 : f32
      %div3A_206 = arith.divf %reduce_sum3A_150, %div3A_205 : f32
      %sub3A_207 = arith.subf %add3A_191, %div3A_206 : f32
      %jit3A_208 = arith.constant 0.000000e+00 : f32
      %broadcast_in_dim3A_209 = vector.broadcast %sub3A_207 : f32 to vector<8x128xf32>
      %broadcast_in_dim3A_210 = vector.broadcast %jit3A_208 : f32 to vector<8x128xf32>
      %select_n3A_211 = arith.select %eq3A_204, %broadcast_in_dim3A_209, %broadcast_in_dim3A_210 : vector<8x128xi1>, vector<8x128xf32>
      %add3A_212 = arith.addf %select_n3A_201, %select_n3A_211 : vector<8x128xf32>
      %eq3A_213 = arith.constant 2 : i32
      %eq3A_214 = vector.broadcast %eq3A_213 : i32 to vector<8x128xi32>
      %eq3A_215 = arith.cmpi eq, %iota3A_42, %eq3A_214 : vector<8x128xi32>
      %div3A_216 = arith.constant 2.000000e+00 : f32
      %div3A_217 = arith.divf %reduce_sum3A_136, %div3A_216 : f32
      %add3A_218 = arith.addf %add3A_168, %div3A_217 : f32
      %jit3A_219 = arith.constant 0.000000e+00 : f32
      %broadcast_in_dim3A_220 = vector.broadcast %add3A_218 : f32 to vector<8x128xf32>
      %broadcast_in_dim3A_221 = vector.broadcast %jit3A_219 : f32 to vector<8x128xf32>
      %select_n3A_222 = arith.select %eq3A_215, %broadcast_in_dim3A_220, %broadcast_in_dim3A_221 : vector<8x128xi1>, vector<8x128xf32>
      %add3A_223 = arith.addf %add3A_212, %select_n3A_222 : vector<8x128xf32>
      %eq3A_224 = arith.constant 3 : i32
      %eq3A_225 = vector.broadcast %eq3A_224 : i32 to vector<8x128xi32>
      %eq3A_226 = arith.cmpi eq, %iota3A_42, %eq3A_225 : vector<8x128xi32>
      %div3A_227 = arith.constant 2.000000e+00 : f32
      %div3A_228 = arith.divf %reduce_sum3A_150, %div3A_227 : f32
      %add3A_229 = arith.addf %add3A_191, %div3A_228 : f32
      %jit3A_230 = arith.constant 0.000000e+00 : f32
      %broadcast_in_dim3A_231 = vector.broadcast %add3A_229 : f32 to vector<8x128xf32>
      %broadcast_in_dim3A_232 = vector.broadcast %jit3A_230 : f32 to vector<8x128xf32>
      %select_n3A_233 = arith.select %eq3A_226, %broadcast_in_dim3A_231, %broadcast_in_dim3A_232 : vector<8x128xi1>, vector<8x128xf32>
      %add3A_234 = arith.addf %add3A_223, %select_n3A_233 : vector<8x128xf32>
      %eq3A_235 = arith.constant 4 : i32
      %eq3A_236 = vector.broadcast %eq3A_235 : i32 to vector<8x128xi32>
      %eq3A_237 = arith.cmpi eq, %iota3A_42, %eq3A_236 : vector<8x128xi32>
      %jit3A_238 = arith.constant 30720 : i32
      %div3A_239 = arith.divsi %reduce_min3A_74, %jit3A_238 : i32
      %sign3A_240 = arith.constant 0 : i32
      %sign3A_241 = arith.cmpi sgt, %reduce_min3A_74, %sign3A_240 : i32
      %sign3A_242 = arith.extui %sign3A_241 : i1 to i32
      %sign3A_243 = arith.constant 0 : i32
      %sign3A_244 = arith.cmpi slt, %reduce_min3A_74, %sign3A_243 : i32
      %sign3A_245 = arith.extui %sign3A_244 : i1 to i32
      %sign3A_246 = arith.subi %sign3A_242, %sign3A_245 : i32
      %sign3A_247 = arith.constant 0 : i32
      %sign3A_248 = arith.cmpi sgt, %jit3A_238, %sign3A_247 : i32
      %sign3A_249 = arith.extui %sign3A_248 : i1 to i32
      %sign3A_250 = arith.constant 0 : i32
      %sign3A_251 = arith.cmpi slt, %jit3A_238, %sign3A_250 : i32
      %sign3A_252 = arith.extui %sign3A_251 : i1 to i32
      %sign3A_253 = arith.subi %sign3A_249, %sign3A_252 : i32
      %ne3A_254 = arith.cmpi ne, %sign3A_246, %sign3A_253 : i32
      %rem3A_255 = arith.remsi %reduce_min3A_74, %jit3A_238 : i32
      %ne3A_256 = arith.constant 0 : i32
      %ne3A_257 = arith.cmpi ne, %rem3A_255, %ne3A_256 : i32
      %and3A_258 = arith.andi %ne3A_254, %ne3A_257 : i1
      %sub3A_259 = arith.constant 1 : i32
      %sub3A_260 = arith.subi %div3A_239, %sub3A_259 : i32
      %select_n3A_261 = arith.select %and3A_258, %sub3A_260, %div3A_239 : i32
      %convert_element_type3A_262 = arith.sitofp %select_n3A_261 : i32 to f32
      %jit3A_263 = arith.constant 0.000000e+00 : f32
      %broadcast_in_dim3A_264 = vector.broadcast %convert_element_type3A_262 : f32 to vector<8x128xf32>
      %broadcast_in_dim3A_265 = vector.broadcast %jit3A_263 : f32 to vector<8x128xf32>
      %select_n3A_266 = arith.select %eq3A_237, %broadcast_in_dim3A_264, %broadcast_in_dim3A_265 : vector<8x128xi1>, vector<8x128xf32>
      %add3A_267 = arith.addf %add3A_234, %select_n3A_266 : vector<8x128xf32>
      %eq3A_268 = vector.broadcast %scan3A_58 : i32 to vector<8x128xi32>
      %eq3A_269 = arith.cmpi eq, %iota3A_41, %eq3A_268 : vector<8x128xi32>
      %select_n3A_270 = arith.select %eq3A_269, %add3A_267, %scan3A_59 : vector<8x128xi1>, vector<8x128xf32>
      scf.yield %select_n3A_270 : vector<8x128xf32>
    }
    %scan3A_51 = arith.constant 50 : i32
    %swap3A_52 = arith.constant 0 : index
    %swap3A_53 = arith.constant 0 : index
    %swap3A_54 = arith.constant 0 : index
    %swap3A_55 = vector.load %arg4[%swap3A_52, %swap3A_53, %swap3A_54] : memref<1x8x128xf32, #tpu.memory_space<vmem>>, vector<1x8x128xf32>
    %swap3A_56 = vector.shape_cast %swap3A_55 : vector<1x8x128xf32> to vector<8x128xf32>
    %swap3A_57 = vector.shape_cast %scan3A_50 : vector<8x128xf32> to vector<1x8x128xf32>
    tpu.vector_store %arg4[%swap3A_52, %swap3A_53, %swap3A_54], %swap3A_57 {strides = array<i32>} : memref<1x8x128xf32, #tpu.memory_space<vmem>>, vector<1x8x128xf32>,
    return
  }
  func.func @transform_0(%arg0: i32) -> (i32, i32, i32, i32) {
    %c0_i32 = arith.constant 0 : i32
    %c0_i32_0 = arith.constant 0 : i32
    %c0_i32_1 = arith.constant 0 : i32
    %c0_i32_2 = arith.constant 0 : i32
    return %arg0, %c0_i32, %c0_i32_0, %c0_i32_1 : i32, i32, i32, i32
  }
  func.func @transform_1(%arg0: i32) -> (i32, i32, i32, i32) {
    %c0_i32 = arith.constant 0 : i32
    %c0_i32_0 = arith.constant 0 : i32
    %c0_i32_1 = arith.constant 0 : i32
    %c0_i32_2 = arith.constant 0 : i32
    return %arg0, %c0_i32, %c0_i32_0, %c0_i32_1 : i32, i32, i32, i32
  }
  func.func @transform_2(%arg0: i32) -> (i32, i32, i32, i32) {
    %c0_i32 = arith.constant 0 : i32
    %c0_i32_0 = arith.constant 0 : i32
    %c0_i32_1 = arith.constant 0 : i32
    %c0_i32_2 = arith.constant 0 : i32
    return %arg0, %c0_i32, %c0_i32_0, %c0_i32_1 : i32, i32, i32, i32
  }
  func.func @transform_3(%arg0: i32) -> (i32, i32, i32) {
    %c0_i32 = arith.constant 0 : i32
    %c0_i32_0 = arith.constant 0 : i32
    %c0_i32_1 = arith.constant 0 : i32
    return %arg0, %c0_i32, %c0_i32_0 : i32, i32, i32
  }
}

module attributes {stable_mosaic.version = 14 : i64} {
  func.func @_k3_blend_body(%arg0: memref<4x4928x128xf32, #tpu.memory_space<vmem>>, %arg1: memref<4x4928x1xf32, #tpu.memory_space<vmem>>, %arg2: memref<4928x128xf32, #tpu.memory_space<vmem>>) attributes {dimension_semantics = [], scalar_prefetch = 0 : i64, scratch_operands = 0 : i64, tpu.core_type = #tpu.core_type<tc>} {
    %get3A = arith.constant 0 : index
    %get3A_0 = arith.constant 0 : index
    %get3A_1 = arith.constant 0 : index
    %get3A_2 = vector.load %arg0[%get3A, %get3A_0, %get3A_1] : memref<4x4928x128xf32, #tpu.memory_space<vmem>>, vector<4x4928x128xf32>
    %get3A_3 = arith.constant 0 : index
    %get3A_4 = arith.constant 0 : index
    %get3A_5 = arith.constant 0 : index
    %get3A_6 = vector.load %arg1[%get3A_3, %get3A_4, %get3A_5] : memref<4x4928x1xf32, #tpu.memory_space<vmem>>, vector<4x4928x1xf32>
    %mul3A = vector.broadcast %get3A_6 : vector<4x4928x1xf32> to vector<4x4928x128xf32>
    %mul3A_7 = arith.mulf %get3A_2, %mul3A : vector<4x4928x128xf32>
    %reduce_sum3A = arith.constant dense<0.000000e+00> : vector<4928x128xf32>
    %reduce_sum3A_8 = vector.multi_reduction <add>, %mul3A_7, %reduce_sum3A [0] : vector<4x4928x128xf32> to vector<4928x128xf32>
    %swap3A = arith.constant 0 : index
    %swap3A_9 = arith.constant 0 : index
    %swap3A_10 = vector.load %arg2[%swap3A, %swap3A_9] : memref<4928x128xf32, #tpu.memory_space<vmem>>, vector<4928x128xf32>
    tpu.vector_store %arg2[%swap3A, %swap3A_9], %reduce_sum3A_8 {strides = array<i32>} : memref<4928x128xf32, #tpu.memory_space<vmem>>, vector<4928x128xf32>,
    return
  }
}

module attributes {stable_mosaic.version = 14 : i64} {
  func.func @_k4_body(%arg0: i32, %arg1: memref<69x12928xf32, #tpu.memory_space<vmem>>, %arg2: memref<1024x621xf32, #tpu.memory_space<vmem>>, %arg3: memref<1024x1xf32, #tpu.memory_space<vmem>>, %arg4: memref<1x1280x128xf32, #tpu.memory_space<vmem>>, %arg5: memref<32x1024xf32, #tpu.memory_space<vmem>>, %arg6: memref<32x1xf32, #tpu.memory_space<vmem>>, %arg7: memref<32x128xf32, #tpu.memory_space<vmem>>, %arg8: memref<1024x128xf32, #tpu.memory_space<vmem>>) attributes {dimension_semantics = [#tpu.dimension_semantics<arbitrary>], iteration_bounds = array<i64: 10>, scalar_prefetch = 0 : i64, scratch_operands = 1 : i64, tpu.core_type = #tpu.core_type<tc>, window_params = [{pipeline_mode = #tpu.pipeline_mode<synchronous>, transform_indices = @transform_0, window_bounds = array<i64: 69, 12928>}, {pipeline_mode = #tpu.pipeline_mode<synchronous>, transform_indices = @transform_1, window_bounds = array<i64: 1024, 621>}, {pipeline_mode = #tpu.pipeline_mode<synchronous>, transform_indices = @transform_2, window_bounds = array<i64: 1024, 1>}, {transform_indices = @transform_3, window_bounds = array<i64: 1, 1280, 128>}, {pipeline_mode = #tpu.pipeline_mode<synchronous>, transform_indices = @transform_4, window_bounds = array<i64: 32, 1024>}, {pipeline_mode = #tpu.pipeline_mode<synchronous>, transform_indices = @transform_5, window_bounds = array<i64: 32, 1>}, {pipeline_mode = #tpu.pipeline_mode<synchronous>, transform_indices = @transform_6, window_bounds = array<i64: 32, 128>}]} {
    %mul3A = arith.constant 1280 : i32
    %mul3A_0 = arith.muli %arg0, %mul3A : i32
    %multiple_of3A = tpu.assume_multiple %mul3A_0, 128 : i32
    %get3A = arith.constant 0 : index
    %get3A_1 = arith.index_cast %multiple_of3A : i32 to index
    %get3A_2 = vector.load %arg1[%get3A, %get3A_1] : memref<69x12928xf32, #tpu.memory_space<vmem>>, vector<69x1408xf32>
    %slice3A = vector.extract_strided_slice %get3A_2 {offsets = [0, 0], sizes = [69, 1280], strides = [1, 1]} : vector<69x1408xf32> to vector<69x1280xf32>
    %slice3A_3 = vector.extract_strided_slice %get3A_2 {offsets = [0, 1], sizes = [69, 1280], strides = [1, 1]} : vector<69x1408xf32> to vector<69x1280xf32>
    %slice3A_4 = vector.extract_strided_slice %get3A_2 {offsets = [0, 2], sizes = [69, 1280], strides = [1, 1]} : vector<69x1408xf32> to vector<69x1280xf32>
    %slice3A_5 = vector.extract_strided_slice %get3A_2 {offsets = [0, 9], sizes = [69, 1280], strides = [1, 1]} : vector<69x1408xf32> to vector<69x1280xf32>
    %slice3A_6 = vector.extract_strided_slice %get3A_2 {offsets = [0, 10], sizes = [69, 1280], strides = [1, 1]} : vector<69x1408xf32> to vector<69x1280xf32>
    %slice3A_7 = vector.extract_strided_slice %get3A_2 {offsets = [0, 11], sizes = [69, 1280], strides = [1, 1]} : vector<69x1408xf32> to vector<69x1280xf32>
    %slice3A_8 = vector.extract_strided_slice %get3A_2 {offsets = [0, 18], sizes = [69, 1280], strides = [1, 1]} : vector<69x1408xf32> to vector<69x1280xf32>
    %slice3A_9 = vector.extract_strided_slice %get3A_2 {offsets = [0, 19], sizes = [69, 1280], strides = [1, 1]} : vector<69x1408xf32> to vector<69x1280xf32>
    %slice3A_10 = vector.extract_strided_slice %get3A_2 {offsets = [0, 20], sizes = [69, 1280], strides = [1, 1]} : vector<69x1408xf32> to vector<69x1280xf32>
    %concatenate3A = tpu.concatenate %slice3A, %slice3A_3, %slice3A_4, %slice3A_5, %slice3A_6, %slice3A_7, %slice3A_8, %slice3A_9, %slice3A_10 in 0 : vector<69x1280xf32>, vector<69x1280xf32>, vector<69x1280xf32>, vector<69x1280xf32>, vector<69x1280xf32>, vector<69x1280xf32>, vector<69x1280xf32>, vector<69x1280xf32>, vector<69x1280xf32> -> vector<621x1280xf32>
    %get3A_11 = arith.constant 0 : index
    %get3A_12 = arith.constant 0 : index
    %get3A_13 = vector.load %arg2[%get3A_11, %get3A_12] : memref<1024x621xf32, #tpu.memory_space<vmem>>, vector<1024x621xf32>
    %dot_general3A = arith.constant dense<0.000000e+00> : vector<1024x1280xf32>
    %dot_general3A_14 = tpu.matmul %get3A_13, %concatenate3A, %dot_general3A {dimension_numbers = #tpu.dot_dimension_numbers<[1], [0], [0], [1], [0, 0, 1, 1], [], []>, transpose_lhs_hint = false} : vector<1024x621xf32>, vector<621x1280xf32>, vector<1024x1280xf32> -> vector<1024x1280xf32>
    %get3A_15 = arith.constant 0 : index
    %get3A_16 = arith.constant 0 : index
    %get3A_17 = vector.load %arg3[%get3A_15, %get3A_16] : memref<1024x1xf32, #tpu.memory_space<vmem>>, vector<1024x1xf32>
    %add3A = vector.broadcast %get3A_17 : vector<1024x1xf32> to vector<1024x1280xf32>
    %add3A_18 = arith.addf %dot_general3A_14, %add3A : vector<1024x1280xf32>
    %max3A = arith.constant 0.000000e+00 : f32
    %max3A_19 = vector.broadcast %max3A : f32 to vector<1024x1280xf32>
    %max3A_20 = arith.maximumf %add3A_18, %max3A_19 : vector<1024x1280xf32>
    %get3A_21 = arith.constant 0 : index
    %get3A_22 = arith.constant 0 : index
    %get3A_23 = arith.constant 0 : index
    %get3A_24 = vector.load %arg4[%get3A_21, %get3A_22, %get3A_23] : memref<1x1280x128xf32, #tpu.memory_space<vmem>>, vector<1x1280x128xf32>
    %get3A_25 = vector.shape_cast %get3A_24 : vector<1x1280x128xf32> to vector<1280x128xf32>
    %dot_general3A_26 = arith.constant dense<0.000000e+00> : vector<1024x128xf32>
    %dot_general3A_27 = tpu.matmul %max3A_20, %get3A_25, %dot_general3A_26 {dimension_numbers = #tpu.dot_dimension_numbers<[1], [0], [0], [1], [0, 0, 1, 1], [], []>, transpose_lhs_hint = false} : vector<1024x1280xf32>, vector<1280x128xf32>, vector<1024x128xf32> -> vector<1024x128xf32>
    %eq3A = arith.constant 0 : i32
    %eq3A_28 = arith.cmpi eq, %arg0, %eq3A : i32
    %convert_element_type3A = arith.extui %eq3A_28 : i1 to i32
    %cond3A = arith.constant 0 : i32
    %cond3A_29 = arith.cmpi ne, %convert_element_type3A, %cond3A : i32
    scf.if %cond3A_29 {
      %swap3A = arith.constant 0 : index
      %swap3A_39 = arith.constant 0 : index
      %swap3A_40 = vector.load %arg8[%swap3A, %swap3A_39] : memref<1024x128xf32, #tpu.memory_space<vmem>>, vector<1024x128xf32>
      tpu.vector_store %arg8[%swap3A, %swap3A_39], %dot_general3A_27 {strides = array<i32>} : memref<1024x128xf32, #tpu.memory_space<vmem>>, vector<1024x128xf32>,
    } else {
    }
    %gt3A = arith.constant 0 : i32
    %gt3A_30 = arith.cmpi sgt, %arg0, %gt3A : i32
    %convert_element_type3A_31 = arith.extui %gt3A_30 : i1 to i32
    %cond3A_32 = arith.constant 0 : i32
    %cond3A_33 = arith.cmpi ne, %convert_element_type3A_31, %cond3A_32 : i32
    scf.if %cond3A_33 {
      %get3A_39 = arith.constant 0 : index
      %get3A_40 = arith.constant 0 : index
      %get3A_41 = vector.load %arg8[%get3A_39, %get3A_40] : memref<1024x128xf32, #tpu.memory_space<vmem>>, vector<1024x128xf32>
      %add3A_42 = arith.addf %get3A_41, %dot_general3A_27 : vector<1024x128xf32>
      %swap3A = arith.constant 0 : index
      %swap3A_43 = arith.constant 0 : index
      %swap3A_44 = vector.load %arg8[%swap3A, %swap3A_43] : memref<1024x128xf32, #tpu.memory_space<vmem>>, vector<1024x128xf32>
      tpu.vector_store %arg8[%swap3A, %swap3A_43], %add3A_42 {strides = array<i32>} : memref<1024x128xf32, #tpu.memory_space<vmem>>, vector<1024x128xf32>,
    } else {
    }
    %eq3A_34 = arith.constant 9 : i32
    %eq3A_35 = arith.cmpi eq, %arg0, %eq3A_34 : i32
    %convert_element_type3A_36 = arith.extui %eq3A_35 : i1 to i32
    %cond3A_37 = arith.constant 0 : i32
    %cond3A_38 = arith.cmpi ne, %convert_element_type3A_36, %cond3A_37 : i32
    scf.if %cond3A_38 {
      %get3A_39 = arith.constant 0 : index
      %get3A_40 = arith.constant 0 : index
      %get3A_41 = vector.load %arg5[%get3A_39, %get3A_40] : memref<32x1024xf32, #tpu.memory_space<vmem>>, vector<32x1024xf32>
      %get3A_42 = arith.constant 0 : index
      %get3A_43 = arith.constant 0 : index
      %get3A_44 = vector.load %arg8[%get3A_42, %get3A_43] : memref<1024x128xf32, #tpu.memory_space<vmem>>, vector<1024x128xf32>
      %dot_general3A_45 = arith.constant dense<0.000000e+00> : vector<32x128xf32>
      %dot_general3A_46 = tpu.matmul %get3A_41, %get3A_44, %dot_general3A_45 {dimension_numbers = #tpu.dot_dimension_numbers<[1], [0], [0], [1], [0, 0, 1, 1], [], []>, transpose_lhs_hint = false} : vector<32x1024xf32>, vector<1024x128xf32>, vector<32x128xf32> -> vector<32x128xf32>
      %get3A_47 = arith.constant 0 : index
      %get3A_48 = arith.constant 0 : index
      %get3A_49 = vector.load %arg6[%get3A_47, %get3A_48] : memref<32x1xf32, #tpu.memory_space<vmem>>, vector<32x1xf32>
      %add3A_50 = vector.broadcast %get3A_49 : vector<32x1xf32> to vector<32x128xf32>
      %add3A_51 = arith.addf %dot_general3A_46, %add3A_50 : vector<32x128xf32>
      %swap3A = arith.constant 0 : index
      %swap3A_52 = arith.constant 0 : index
      %swap3A_53 = vector.load %arg7[%swap3A, %swap3A_52] : memref<32x128xf32, #tpu.memory_space<vmem>>, vector<32x128xf32>
      tpu.vector_store %arg7[%swap3A, %swap3A_52], %add3A_51 {strides = array<i32>} : memref<32x128xf32, #tpu.memory_space<vmem>>, vector<32x128xf32>,
    } else {
    }
    return
  }
  func.func @transform_0(%arg0: i32) -> (i32, i32) {
    %c0_i32 = arith.constant 0 : i32
    %c0_i32_0 = arith.constant 0 : i32
    %c0_i32_1 = arith.constant 0 : i32
    return %c0_i32, %c0_i32_0 : i32, i32
  }
  func.func @transform_1(%arg0: i32) -> (i32, i32) {
    %c0_i32 = arith.constant 0 : i32
    %c0_i32_0 = arith.constant 0 : i32
    %c0_i32_1 = arith.constant 0 : i32
    return %c0_i32, %c0_i32_0 : i32, i32
  }
  func.func @transform_2(%arg0: i32) -> (i32, i32) {
    %c0_i32 = arith.constant 0 : i32
    %c0_i32_0 = arith.constant 0 : i32
    %c0_i32_1 = arith.constant 0 : i32
    return %c0_i32, %c0_i32_0 : i32, i32
  }
  func.func @transform_3(%arg0: i32) -> (i32, i32, i32) {
    %c0_i32 = arith.constant 0 : i32
    %c0_i32_0 = arith.constant 0 : i32
    %c0_i32_1 = arith.constant 0 : i32
    return %arg0, %c0_i32, %c0_i32_0 : i32, i32, i32
  }
  func.func @transform_4(%arg0: i32) -> (i32, i32) {
    %c0_i32 = arith.constant 0 : i32
    %c0_i32_0 = arith.constant 0 : i32
    %c0_i32_1 = arith.constant 0 : i32
    return %c0_i32, %c0_i32_0 : i32, i32
  }
  func.func @transform_5(%arg0: i32) -> (i32, i32) {
    %c0_i32 = arith.constant 0 : i32
    %c0_i32_0 = arith.constant 0 : i32
    %c0_i32_1 = arith.constant 0 : i32
    return %c0_i32, %c0_i32_0 : i32, i32
  }
  func.func @transform_6(%arg0: i32) -> (i32, i32) {
    %c0_i32 = arith.constant 0 : i32
    %c0_i32_0 = arith.constant 0 : i32
    %c0_i32_1 = arith.constant 0 : i32
    return %c0_i32, %c0_i32_0 : i32, i32
  }
}

</mosaic_0001>

<sc_bundles>
// kernel: kernel.7.cloned.1.call-start
scs
__scs_entry_jumppad:
0x0: {  	(pc) =	sbr.rel $0x88, $3  }
0x1: {  	(tag) =	ssettag $0x0;
	lr =	simm.s32 $0x1  }
0x2: {  	[smem:$0x3F71] =	sst lr;
	_ =	strace $0xD0000000  }
0x3: {  	_ = 	snop  }
0x4: {  	_ = 	snop  }
0x5: {  	_ = 	snop  }
0x6: {  	_ = 	snop  }
0x7: {  	_ = 	snop  }
__scs_overlays_trampoline_lowered:
0x8: {  	[smem:$0x3F80] =	sst s0  }
0x9: {  	[smem:$0x3F81] =	sst s1  }
0xa: {  	[smem:$0x3F82] =	sst s2  }
0xb: {  	[smem:$0x3F83] =	sst s3  }
0xc: {  	[smem:$0x3F84] =	sst s4  }
0xd: {  	[smem:$0x3F85] =	sst s5  }
0xe: {  	[smem:$0x3F86] =	sst s6  }
0xf: {  	[smem:$0x3F87] =	sst s7  }
0x10: {  	[smem:$0x3F88] =	sst s8  }
0x11: {  	[smem:$0x3F89] =	sst s9;
	s0 =	simm.s32 @!p0 $0x0  }
0x12: {  	s1 =	sld [smem:$0x3F6F];
	s0 =	simm.s32 @p0 $0x1  }
0x13: {  	[smem:$0x3F8A] =	sst s0;
	s0 =	simm.s32 @!p1 $0x0  }
0x14: {  	s2 =	sld [smem:$0x3F6E];
	s0 =	simm.s32 @p1 $0x1  }
0x15: {  	[smem:$0x3F8B] =	sst s0;
	s0 =	simm.s32 @!p2 $0x0  }
0x16: {  	s3 =	sld [smem:$0x3FDB];
	s0 =	simm.s32 @p2 $0x1  }
0x17: {  	s4 =	simm.s32 $0x1BF5;
	[smem:$0x3F8D] =	sst s0  }
0x18: {  	s0 =	sld [smem:$0x3F70];
	_ =	swait.ge [sflag:s4], $0x0  }
0x19: {  	s7 =	sld [smem:$0x3F71]  }
0x1a: {  	s8 =	sadd.s32 $0xFFFFE003, lr  }
0x1b: {  	s9 =	sadd.s32 $0xFFFFFEF7, lr;
	s5 =	simm.s32 $0xFFFFFFFF;
	p2 =	slt.u32 s8, $0xFFFFF086  }
0x1c: {  	p1 =	slt.u32 s9, $0xF7A;
	s5 =	simm.s32 @!p2 $0x0  }
0x1d: {  	s5 =	simm.s32 @p1 $0x1;
	p0 =	seq.s32 s7, s2  }
0x1e: {  	s7 =	smul.u32 @!p0 $0xF7A, s2;
	p2 =	seq.s32 @!p0 s5, $0x0  }
0x1f: {  	s9 =	smul.u32 $0xF7A, s1;
	s8 =	simm.s32 @!p0 $0x1BF5;
	p2 =	por !p2, p0  }
0x20: {  	[sflag:s8] =	ssyncset.s32 @!p0 $0xFFFFF086;
	s6 =	sadd.s32 @!p0 s3, s7;
	s7 =	simm.s32 @!p0 $0x108  }
0x21: {  	s3 =	sadd.s32 s3, s9;
	s6 =	sadd.s32 @!p0 $0x88, s6;
	s7 =	simm.s32 @p2 $0x1082  }
0x22: {  	[simem:s7], [sflag:s8] =	dma.local @!p0 [hbm:s6], $0xF7A  }
0x23: {  	s9 =	sor.u32 $0xD0000000, s2;
	s6 =	simm.s32 $0x108;
	_ =	swait.ge @!p0 [sflag:s8], $0x0  }
0x24: {  	s3 =	sadd.s32 $0x88, s3;
	s6 =	simm.s32 @!p1 $0x1082;
	[sflag:s4] =	ssyncset.s32 $0xFFFFF086  }
0x25: {  	[simem:s6], [sflag:s4] =	dma.local [hbm:s3], $0xF7A  }
0x26: {  	[smem:$0x3F71] =	sst s1;
	(tag) =	ssettag s2;
	_ =	strace s9  }
0x27: {  	s1 =	sld [smem:$0x3F81]  }
0x28: {  	s2 =	sld [smem:$0x3F82]  }
0x29: {  	s4 =	sld [smem:$0x3F84]  }
0x2a: {  	p0 =	seq.s32 s5, $0x0;
	s5 =	sld [smem:$0x3F85]  }
0x2b: {  	s6 =	sld [smem:$0x3F86]  }
0x2c: {  	s7 =	sld [smem:$0x3F87]  }
0x2d: {  	s3 =	simm.s32 $0x108;
	s8 =	sld [smem:$0x3F88]  }
0x2e: {  	s3 =	simm.s32 @!p0 $0x1082;
	s9 =	sld [smem:$0x3F89]  }
0x2f: {  	lr =	sadd.s32 s0, s3;
	s0 =	sld [smem:$0x3F80]  }
0x30: {  	s3 =	sld [smem:$0x3F83]  }
0x31: {  	[smem:$0x3F8C] =	sst s10  }
0x32: {  	s10 =	sld [smem:$0x3F8A];
	_ =	sdelay $0x3  }
0x33: {  	p0 =	seq.s32 s10, $0x1;
	s10 =	sld [smem:$0x3F8C];
	_ =	sdelay $0x3  }
0x34: {  	[smem:$0x3F8C] =	sst s10  }
0x35: {  	s10 =	sld [smem:$0x3F8B];
	_ =	sdelay $0x3  }
0x36: {  	p1 =	seq.s32 s10, $0x1;
	s10 =	sld [smem:$0x3F8C];
	_ =	sdelay $0x3  }
0x37: {  	[smem:$0x3F8C] =	sst s10  }
0x38: {  	s10 =	sld [smem:$0x3F8D]  }
0x39: {  	_ = 	snop;
	(pc) =	sbr.ind lr, $3  }
0x3a: {  	_ = 	snop  }
0x3b: {  	_ = 	snop  }
0x3c: {  	p2 =	seq.s32 s10, $0x1;
	s10 =	sld [smem:$0x3F8C]  }
0x3d: {  	_ =	shalt  }
0x3e: {  	_ =	shalt  }
0x3f: {  	_ =	shalt  }
0x40: {  	_ =	shalt  }
0x41: {  	_ =	shalt  }
0x42: {  	_ =	shalt  }
0x43: {  	_ =	shalt  }
0x44: {  	_ =	shalt  }
0x45: {  	_ =	shalt  }
0x46: {  	_ =	shalt  }
0x47: {  	_ =	shalt  }
0x48: {  	_ =	shalt  }
0x49: {  	_ =	shalt  }
0x4a: {  	_ =	shalt  }
0x4b: {  	_ =	shalt  }
0x4c: {  	_ =	shalt  }
0x4d: {  	_ =	shalt  }
0x4e: {  	_ =	shalt  }
0x4f: {  	_ =	shalt  }
0x50: {  	_ =	shalt  }
0x51: {  	_ =	shalt  }
0x52: {  	_ =	shalt  }
0x53: {  	_ =	shalt  }
0x54: {  	_ =	shalt  }
0x55: {  	_ =	shalt  }
0x56: {  	_ =	shalt  }
0x57: {  	_ =	shalt  }
0x58: {  	_ =	shalt  }
0x59: {  	_ =	shalt  }
0x5a: {  	_ =	shalt  }
0x5b: {  	_ =	shalt  }
0x5c: {  	_ =	shalt  }
0x5d: {  	_ =	shalt  }
0x5e: {  	_ =	shalt  }
0x5f: {  	_ =	shalt  }
0x60: {  	_ =	shalt  }
0x61: {  	_ =	shalt  }
0x62: {  	_ =	shalt  }
0x63: {  	_ =	shalt  }
0x64: {  	_ =	shalt  }
0x65: {  	_ =	shalt  }
0x66: {  	_ =	shalt  }
0x67: {  	_ =	shalt  }
0x68: {  	_ =	shalt  }
0x69: {  	_ =	shalt  }
0x6a: {  	_ =	shalt  }
0x6b: {  	_ =	shalt  }
0x6c: {  	_ =	shalt  }
0x6d: {  	_ =	shalt  }
0x6e: {  	_ =	shalt  }
0x6f: {  	_ =	shalt  }
0x70: {  	_ =	shalt  }
0x71: {  	_ =	shalt  }
0x72: {  	_ =	shalt  }
0x73: {  	_ =	shalt  }
0x74: {  	_ =	shalt  }
0x75: {  	_ =	shalt  }
0x76: {  	_ =	shalt  }
0x77: {  	_ =	shalt  }
0x78: {  	_ =	shalt  }
0x79: {  	_ =	shalt  }
0x7a: {  	_ =	shalt  }
0x7b: {  	_ =	shalt  }
0x7c: {  	_ =	shalt  }
0x7d: {  	_ =	shalt  }
0x7e: {  	_ =	shalt  }
0x7f: {  	_ =	shalt  }
0x80: {  	_ =	shalt  }
0x81: {  	_ =	shalt  }
0x82: {  	_ =	shalt  }
0x83: {  	_ =	shalt  }
0x84: {  	_ =	shalt  }
0x85: {  	_ =	shalt  }
0x86: {  	_ =	shalt  }
0x87: {  	_ =	shalt  }
.Lfunc_end0:
.L_simem_size_0:
called_computation_lowered:
.L_overlay_start_0:
0x88: {  	s2 =	sld [smem:$0x3FD9]  }
0x89: {  	s3 =	sld [smem:$0x3FFE];
	_ =	sdelay $0x1  }
0x8a: {  	s1 =	srdreg.scid  }
0x8b: {  	s0 =	sand.u32 $0x1, s1  }
0x8c: {  	s16 =	sshll.u32 s0, $0xA;
	s2 =	sadd.s32 s3, s2  }
0x8d: {  	s2 =	sadd.s32 s2, s16  }
0x8e: {  	[smem:$0x3F98] =	sst s2  }
0x8f: {  	_ = 	snop  }
0x90: {  	(tm) =	ssettm $0x1  }
0x91: {  	s17 =	sld [smem:$0x3FFB];
	_ =	sdelay $0x3  }
0x92: {  	_ =	strace s17  }
0x93: {  	s2 =	sld [smem:$0x3FFC];
	_ =	sdelay $0x3  }
0x94: {  	_ =	strace s2  }
0x95: {  	s2 =	sld [smem:$0x3FFD];
	_ =	sdelay $0x3  }
0x96: {  	_ =	strace s2  }
0x97: {  	_ =	strace $0x8FFFFFFF  }
0x98: {  	s18 =	sld [smem:$0x3FDB];
	_ =	sdelay $0x1  }
0x99: {  	s19 =	simm.s32 $_scs_section_size  }
0x9a: {  	s4 =	simm.s32 $_size__tile_overlayer_lowered;
	s5 =	simm.s32 $_tile_overlayer_lowered  }
0x9b: {  	s22 =	simm.s32 $0x1BFF;
	s21 =	sshll.u32 s5, $0x1;
	s2 =	sadd.s32 s19, s18  }
0x9c: {  	s6 =	simm.s32 $0x0;
	s20 =	sshll.u32 s4, $0x1;
	s4 =	sadd.s32 s21, s2  }
0x9d: {  	[timem:s6], [sflag:s22] =	dma.local [hbm:s4], s20  }
0x9e: {  	_ =	swait.ge [sflag:s22], s20  }
0x9f: {  	s3 =	ssub.s32 $0x0, s20;
	[sflag:s22] =	ssyncset.done $0x0  }
0xa0: {  	[sflag:s22] =	ssyncadd.s32 s3;
	_ =	sdelay $0x1  }
0xa1: {  	s23 =	simm.s32 $0x1B8B  }
0xa2: {  	_ =	swait.ge [sflag:s23], $0x1  }
0xa3: {  	[sflag:s23] =	ssyncset.done $0x0  }
0xa4: {  	s25 =	simm.s32 $0x1B8E;
	s24 =	sld [smem:$0x3FFE];
	[sflag:s23] =	ssyncadd.s32 $0xFFFFFFFF  }
0xa5: {  	s26 =	simm.s32 $execute0_lowered;
	[smem:$0x3FD2] =	sst s25  }
0xa6: {  	s4 =	sshll.u32 s26, $0x1;
	_ =	strace $0x80000046;
	[dreg:$0x1] =	wrdreg $0xFFFFFFFF  }
0xa7: {  	s28 =	simm.s32 $_size_execute0_lowered;
	s2 =	sadd.s32 s2, s4;
	[dreg:$0x0] =	wrdreg $0x0  }
0xa8: {  	s4 =	sshll.u32 s28, $0x1;
	[dreg:$0x2] =	wrdreg s2  }
0xa9: {  	[dreg:$0x3] =	wrdreg s4  }
0xaa: {  	[dreg:$0x4] =	wrdreg $0xC0  }
0xab: {  	_ =	task [dreg:s6], $0x5FFFF  }
0xac: {  	[dreg:$0x1] =	wrdreg $0xFFFFFFFF  }
0xad: {  	[dreg:$0x0] =	wrdreg $0x60  }
0xae: {  	[dreg:$0x2] =	wrdreg s24  }
0xaf: {  	[dreg:$0x3] =	wrdreg $0x9  }
0xb0: {  	_ =	task.clear_ibuf [dreg:s6], $0x4FFFF;
	_ =	strace $0x90000046  }
0xb1: {  	s29 =	simm.s32 $0x9;
	_ =	strace $0x80000048  }
0xb2: {  	_ =	swait.ge [sflag:s29], $0x1  }
0xb3: {  	[sflag:s29] =	ssyncadd.s32 $0xFFFFFFFF  }
0xb4: {  	_ =	strace $0x90000048  }
0xb5: {  	_ =	sfence  }
0xb6: {  	s30 =	sld [smem:$0x0];
	_ =	sdelay $0x2  }
0xb7: {  	s31 =	sshll.u32 s1, $0xD;
	s1 =	sshrl.u32 s1, $0x2  }
0xb8: {  	s3 =	sand.u32 $0x4000, s31;
	s1 =	sadd.s32 s1, s30  }
0xb9: {  	s0 =	sor.u32 s3, s0;
	s1 =	sshll.u32 s1, $0x11  }
0xba: {  	s0 =	sor.u32 s1, s0  }
0xbb: {  	s0 =	sadd.s32 $0x8F2B, s0  }
0xbc: {  	[sflag:s0] =	ssyncadd.remote.s32 $0x1  }
0xbd: {  	_ =	sfence.sel $0xFFFF  }
0xbe: {  	[dreg:$0x0] =	wrdreg $0xFFFFFFFF;
	(pc) =	sbr.abs _section_cstart, $3  }
0xbf: {  	[dreg:$0x1] =	wrdreg $0xFFFFFFFF  }
0xc0: {  	_ =	task.clear_ibuf [dreg:s6], $0x2FFFF;
	_ =	strace $0x9FFFFFFF  }
0xc1: {  	(tm) =	ssettm $0x7FFFFFFF  }
tec
execute0_lowered:
.L_overlay_start_1:
0x0: {  	(tag) =	ssettag $0x1  }
0x1: {  	s1 =	srdreg.scid;
	s0 =	stileid.u32  }
0x2: {  	s6 =	sand.u32 $0x1, s1;
	s30 =	sshll.u32 s0, $0x1  }
0x3: {  	s9 =	rddreg [dreg:$0x0];
	s7 =	sor.u32 s6, s30  }
0x4: {  	s2 =	simm.s32 $0x0;
	s1 =	rddreg [dreg:$0x1];
	s3 =	smul.u32 $0x4D, s7  }
0x5: {  	s8 =	simm.s32 $0x1;
	[smem:$0x7FF] =	sst s2;
	s5 =	sadd.s32 $0x4C00, s9  }
0x6: {  	_ =	strace $0x80000047;
	s11 =	ssub.s32 $0x2, s6;
	s3 =	sadd.s32 s3, s9  }
0x7: {  	s6 =	simm.s32 $0x268;
	s4 =	sadd.s32 $0xF4C00, s3;
	s3 =	simm.s32 $0x2  }
0x8: {  	[tilespmem:s2], [sflag:$0x2] =	stream.linear.gather [hbm4b:s4+s2], $0x268, $0x38;
	[tilespmem:$0x13680] =	vst v63  }
0x9: {  	s10 =	smul.u32 $0x2680, s7;
	s12 =	sshrl.u32 s11, $0x1;
	_ =	swait.ge [sflag:s3], $0x268  }
0xa: {  	s7 =	simm.s32 $0x280;
	s31 =	ssub.s32 s11, s12;
	[sflag:s3] =	ssyncset.done $0x0  }
0xb: {  	s9 =	sadd.s32 s10, s9;
	s10 =	smax.u32 s31, $0x1;
	[sflag:s3] =	ssyncadd.s32 $0xFFFFFD98  }
0xc: {  	[tilespmem:s7], [sflag:$0x1] =	stream.indirect.gather [hbm4b:s5+s6], $0x80, s2, s6, $0xb8;
	[tilespmem:$0x13680] =	vst v63  }
0xd: {  	p0 =	sne.s32 s10, $0x1;
	_ =	swait.ge [sflag:s8], $0x13400  }
.Ltmp0:
0xe: {  	[sflag:s8] =	ssyncset.done $0x0;
	(pc) =	sbr.rel @!p0 .LBB2_2-.Ltmp0, $4  }
0xf: {  	s9 =	sadd.s32 $0xF5600, s9;
	[sflag:s8] =	ssyncadd.s32 $0xFFFECC00  }
0x10: {  	[hbm4b:s9+s2] =	stream.linear.scatter [tilespmem:s7], [sflag:$0x2], $0x13400, $0x38;
	[tilespmem:$0x13680] =	vst v63  }
0x11: {  	_ =	swait.ge [sflag:s3], $0x13400  }
0x12: {  	s10 =	sadd.s32 $0xFFFFFFFF, s10;
	[sflag:s3] =	ssyncset.done $0x0  }
.LBB2_1:
0x13: {  	p0 =	sne.s32 s10, $0x1;
	s10 =	sadd.s32 $0xFFFFFFFF, s10;
	[sflag:s3] =	ssyncadd.s32 $0xFFFECC00  }
0x14: {  	[tilespmem:s2], [sflag:$0x2] =	stream.linear.gather [hbm4b:s4+s2], $0x268, $0x38;
	[tilespmem:$0x13680] =	vst v63  }
0x15: {  	_ =	swait.ge [sflag:s3], $0x268  }
0x16: {  	[sflag:s3] =	ssyncset.done $0x0  }
0x17: {  	[sflag:s3] =	ssyncadd.s32 $0xFFFFFD98  }
0x18: {  	[tilespmem:s7], [sflag:$0x1] =	stream.indirect.gather [hbm4b:s5+s6], $0x80, s2, s6, $0xb8;
	[tilespmem:$0x13680] =	vst v63  }
0x19: {  	_ =	swait.ge [sflag:s8], $0x13400  }
.Ltmp1:
0x1a: {  	[sflag:s8] =	ssyncset.done $0x0;
	(pc) =	sbr.rel @p0 .LBB2_1-.Ltmp1, $4  }
0x1b: {  	[sflag:s8] =	ssyncadd.s32 $0xFFFECC00  }
0x1c: {  	[hbm4b:s9+s2] =	stream.linear.scatter [tilespmem:s7], [sflag:$0x2], $0x13400, $0x38;
	[tilespmem:$0x13680] =	vst v63  }
0x1d: {  	_ =	swait.ge [sflag:s3], $0x13400  }
0x1e: {  	[sflag:s3] =	ssyncset.done $0x0  }
.LBB2_2:
0x1f: {  	[sflag:s3] =	ssyncadd.s32 $0xFFFECC00  }
0x20: {  	_ =	sfence.sel $0x180000  }
0x21: {  	[bflag:$0x0] =	sbarrier.arrive $0xFFFF  }
0x22: {  	p0 =	sne.s32 s0, $0x0;
	_ =	strace $0x90000047  }
0x23: {  	s0 =	sadd.s32 @!p0 $0x100000, s1;
	[bflag:$0x2] =	sbarrier.arrive $0xFFFF  }
0x24: {  	[sflag:s0] =	ssyncadd.tile.s32 @!p0 $0x1;
	_ =	shalt  }
.Lfunc_end2:
_tile_overlayer_lowered:
.L_overlay_start_2:
0x25: {  	(tag) =	ssettag $0x2  }
0x26: {  	s0 =	rddreg [dreg:$0x0];
	s2 =	stileid.u32  }
0x27: {  	s1 =	rddreg [dreg:$0x1];
	p0 =	sne.s32 s2, $0x0  }
0x28: {  	s3 =	rddreg [dreg:$0x2];
	[bflag:$0x3] =	sbarrier.arrive $0xFFFF;
	s2 =	simm.s32 @!p0 $0x1C02  }
0x29: {  	[timem:s3], [sflag:s2] =	dma.local @!p0 [hbm:s0], s1  }
0x2a: {  	s0 =	simm.s32 @!p0 $0x2  }
0x2b: {  	_ =	swait.ge @!p0 [sflag:s0], s1  }
0x2c: {  	s1 =	ssub.s32 @!p0 $0x0, s1;
	[sflag:s0] =	ssyncset.done @!p0 $0x0  }
0x2d: {  	[sflag:s0] =	ssyncadd.s32 @!p0 s1  }
0x2e: {  	[bflag:$0x3] =	sbarrier.arrive $0xFFFF  }
0x2f: {  	_ =	shalt  }

</sc_bundles>
